<compile_context>
chip_gen: v7x
topology: tpu7x:2x2x1
jax: 0.10.2.dev20260603
libtpu: 0.0.44.dev20260713+nightly
codegen_flags: <defaults>
</compile_context>

<pallas_src>
import jax
import jax.numpy as jnp
from jax import lax
from jax.experimental import pallas as pl
from jax.experimental.pallas import tpu as pltpu
from jax.experimental.pallas import tpu_sc as plsc

_HOPS = 4
_S = 16
_V = 8192
_B = 64
_NC = 2
_NS = 16
_NW = _NC * _NS
_BPW = _B // _NW
_NBUF = 2 * _BPW
_L = 16


def _body(y_hbm, idx_hbm, out_hbm, *scratch):
    rows = list(scratch[:_NBUF])
    idx_v = scratch[_NBUF]
    sems = list(scratch[_NBUF + 1:])
    wid = lax.axis_index("s") * _NC + lax.axis_index("c")
    bs = [wid * _BPW + j for j in range(_BPW)]
    stage = []
    for j in range(_BPW):
        cp = pltpu.make_async_copy(idx_hbm.at[bs[j]], idx_v.at[j], sems[j])
        cp.start()
        stage.append(cp)
    for i in range(_NBUF):
        cp = pltpu.make_async_copy(y_hbm.at[bs[i % _BPW]], rows[i], sems[i])
        cp.start()
        stage.append(cp)
    for cp in stage:
        cp.wait()
    pending = [None] * _NBUF
    saved = [None] * _NBUF
    for t in range(_BPW * _S):
        i = t % _NBUF
        j = t % _BPW
        s = t // _BPW
        if pending[t % _NBUF] is not None:
            pending[i].wait()
            siv, sv = saved[i]
            plsc.store_scatter(rows[i], [siv], sv)
        iv = idx_v[j, s]
        v = plsc.load_gather(rows[i], [iv])
        plsc.store_scatter(rows[i], [iv], 1.0 - v)
        cp = pltpu.make_async_copy(rows[i], out_hbm.at[bs[j], s], sems[i])
        cp.start()
        pending[i] = cp
        saved[i] = (iv, v)
    for i in range(_NBUF):
        pending[i].wait()


_mesh = plsc.VectorSubcoreMesh(
    core_axis_name="c", subcore_axis_name="s",
    num_cores=_NC, num_subcores=_NS)

_sampler = pl.kernel(
    _body,
    out_type=jax.ShapeDtypeStruct((_B, _S, _V), jnp.float32),
    mesh=_mesh,
    compiler_params=pltpu.CompilerParams(needs_layout_passes=False),
    scratch_types=(
        [pltpu.VMEM((_V,), jnp.float32)] * _NBUF
        + [pltpu.VMEM((_BPW, _S, _L), jnp.int32)]
        + [pltpu.SemaphoreType.DMA] * _NBUF
    ),
)


def kernel(a, b, c, y):
    del a, b, c
    idx = jax.random.randint(jax.random.key(1), (_B, _S, _HOPS), 0, _V)
    idx16 = jnp.tile(idx.astype(jnp.int32), (1, 1, _L // _HOPS))
    return _sampler(y, idx16)

# --- scband reference (transcript-rebuilt; emitter-appended) ---
"""Pipeline reference for scband-bit-khop-sampler-81174881894713 (READ-ONLY COPY).

The authoritative reference and input builder live on the scoring server;
editing this copy changes nothing except your own understanding.
"""

import jax, jax.numpy as jnp
import numpy as np

NUM_HOPS = 4
NUM_SAMPLES = 16
BATCH = 64
NUM_VARS = 8192


def setup_inputs(seed: int = 0) -> dict:
    key = jax.random.key(seed)
    k1, k2, k3, k4 = jax.random.split(key, 4)
    a = jnp.zeros((1,), dtype=jnp.float32)
    b = jnp.zeros((1,), dtype=jnp.float32)
    c = jnp.zeros((1,), dtype=jnp.float32)
    # y holds bit values in {0.0, 1.0}
    y = jnp.round(jax.random.uniform(k4, (BATCH, NUM_VARS), dtype=jnp.float32))
    return {"a": a, "b": b, "c": c, "y": y}


def reference(a, b, c, y):
    batch_size, num_vars = y.shape
    # torch.randint(num_vars, (B, num_samples, num_hops)) equivalent with a fixed key
    idx = jax.random.randint(jax.random.key(1), (batch_size, NUM_SAMPLES, NUM_HOPS), 0, num_vars)
    # F.one_hot(idx, num_classes=num_vars) -> [B, S, H, V]
    oh = jax.nn.one_hot(idx, num_vars, dtype=jnp.int32)
    # torch.any(..., dim=-2) -> [B, S, V] bool mask of variables to flip
    mag = jnp.any(oh, axis=-2)
    y2 = y[..., None, :]  # [B, 1, V]
    out = y2 + (1.0 - 2.0 * y2) * mag.astype(y.dtype)  # [B, S, V]
    return out

if __name__ == "__main__":
    import jax
    _d = setup_inputs()
    print(jax.jit(kernel)(*tuple(_d.values())))

</pallas_src>

<mosaic_0001>
#map = affine_map<(d0, d1) -> (0, 0)>
#map1 = affine_map<(d0, d1) -> (0, 0, 0)>
module attributes {stable_mosaic.version = 14 : i64} {
  func.func @_body(%arg0: i32, %arg1: i32, %arg2: memref<64x8192xf32, #tpu.memory_space<hbm>>, %arg3: memref<64x16x16xi32, #tpu.memory_space<hbm>>, %arg4: memref<64x16x8192xf32, #tpu.memory_space<hbm>>, %arg5: memref<8192xf32, #tpu.memory_space<vmem>>, %arg6: memref<8192xf32, #tpu.memory_space<vmem>>, %arg7: memref<8192xf32, #tpu.memory_space<vmem>>, %arg8: memref<8192xf32, #tpu.memory_space<vmem>>, %arg9: memref<2x16x16xi32, #tpu.memory_space<vmem>>, %arg10: memref<!tpu.dma_semaphore, #tpu.memory_space<semaphore_mem>>, %arg11: memref<!tpu.dma_semaphore, #tpu.memory_space<semaphore_mem>>, %arg12: memref<!tpu.dma_semaphore, #tpu.memory_space<semaphore_mem>>, %arg13: memref<!tpu.dma_semaphore, #tpu.memory_space<semaphore_mem>>) attributes {dimension_semantics = [#tpu.dimension_semantics<core_parallel>, #tpu.dimension_semantics<subcore_parallel>], iteration_bounds = array<i64: 2, 16>, scalar_prefetch = 0 : i64, scratch_operands = 9 : i64, tpu.core_type = #tpu.core_type<sc_vector_subcore>, window_params = [{transform_indices = #map}, {transform_indices = #map1}, {transform_indices = #map1}]} {
    %mul3A = arith.constant 2 : i32
    %mul3A_0 = arith.muli %arg1, %mul3A : i32
    %add3A = arith.addi %mul3A_0, %arg0 : i32
    %mul3A_1 = arith.constant 2 : i32
    %mul3A_2 = arith.muli %add3A, %mul3A_1 : i32
    %add3A_3 = arith.constant 0 : i32
    %add3A_4 = arith.addi %mul3A_2, %add3A_3 : i32
    %mul3A_5 = arith.constant 2 : i32
    %mul3A_6 = arith.muli %add3A, %mul3A_5 : i32
    %add3A_7 = arith.constant 1 : i32
    %add3A_8 = arith.addi %mul3A_6, %add3A_7 : i32
    %dma_start3A = arith.constant 0 : i32
    %dma_start3A_9 = arith.constant 0 : i32
    %dma_start3A_10 = arith.constant 0 : i32
    %dma_start3A_11 = tpu.memref_slice %arg9[%dma_start3A, %dma_start3A_9, %dma_start3A_10] : memref<2x16x16xi32, #tpu.memory_space<vmem>> -> memref<1x16x16xi32, #tpu.memory_space<vmem>>
    %dma_start3A_12 = tpu.memref_squeeze %dma_start3A_11 : memref<1x16x16xi32, #tpu.memory_space<vmem>> -> memref<16x16xi32, #tpu.memory_space<vmem>>
    %dma_start3A_13 = arith.constant 0 : i32
    %dma_start3A_14 = arith.constant 0 : i32
    %dma_start3A_15 = tpu.memref_slice %arg3[%add3A_4, %dma_start3A_13, %dma_start3A_14] : memref<64x16x16xi32, #tpu.memory_space<hbm>> -> memref<1x16x16xi32, #tpu.memory_space<hbm>>
    %dma_start3A_16 = tpu.memref_squeeze %dma_start3A_15 : memref<1x16x16xi32, #tpu.memory_space<hbm>> -> memref<16x16xi32, #tpu.memory_space<hbm>>
    %dma_start3A_17 = arith.constant 0 : i32
    %dma_start3A_18 = arith.constant 0 : i32
    %dma_start3A_19 = tpu.memref_slice %arg9[%dma_start3A, %dma_start3A_17, %dma_start3A_18] : memref<2x16x16xi32, #tpu.memory_space<vmem>> -> memref<1x16x16xi32, #tpu.memory_space<vmem>>
    %dma_start3A_20 = tpu.memref_squeeze %dma_start3A_19 : memref<1x16x16xi32, #tpu.memory_space<vmem>> -> memref<16x16xi32, #tpu.memory_space<vmem>>
    %dma_start3A_21 = arith.constant 0 : i32
    %dma_start3A_22 = arith.constant 0 : i32
    %dma_start3A_23 = tpu.memref_slice %arg3[%add3A_4, %dma_start3A_21, %dma_start3A_22] : memref<64x16x16xi32, #tpu.memory_space<hbm>> -> memref<1x16x16xi32, #tpu.memory_space<hbm>>
    %dma_start3A_24 = tpu.memref_squeeze %dma_start3A_23 : memref<1x16x16xi32, #tpu.memory_space<hbm>> -> memref<16x16xi32, #tpu.memory_space<hbm>>
    tpu.enqueue_dma source(%dma_start3A_24 : memref<16x16xi32, #tpu.memory_space<hbm>>) target(%dma_start3A_20 : memref<16x16xi32, #tpu.memory_space<vmem>>) target_semaphore(%arg10 : memref<!tpu.dma_semaphore, #tpu.memory_space<semaphore_mem>>)
    %dma_start3A_25 = arith.constant 1 : i32
    %dma_start3A_26 = arith.constant 0 : i32
    %dma_start3A_27 = arith.constant 0 : i32
    %dma_start3A_28 = tpu.memref_slice %arg9[%dma_start3A_25, %dma_start3A_26, %dma_start3A_27] : memref<2x16x16xi32, #tpu.memory_space<vmem>> -> memref<1x16x16xi32, #tpu.memory_space<vmem>>
    %dma_start3A_29 = tpu.memref_squeeze %dma_start3A_28 : memref<1x16x16xi32, #tpu.memory_space<vmem>> -> memref<16x16xi32, #tpu.memory_space<vmem>>
    %dma_start3A_30 = arith.constant 0 : i32
    %dma_start3A_31 = arith.constant 0 : i32
    %dma_start3A_32 = tpu.memref_slice %arg3[%add3A_8, %dma_start3A_30, %dma_start3A_31] : memref<64x16x16xi32, #tpu.memory_space<hbm>> -> memref<1x16x16xi32, #tpu.memory_space<hbm>>
    %dma_start3A_33 = tpu.memref_squeeze %dma_start3A_32 : memref<1x16x16xi32, #tpu.memory_space<hbm>> -> memref<16x16xi32, #tpu.memory_space<hbm>>
    %dma_start3A_34 = arith.constant 0 : i32
    %dma_start3A_35 = arith.constant 0 : i32
    %dma_start3A_36 = tpu.memref_slice %arg9[%dma_start3A_25, %dma_start3A_34, %dma_start3A_35] : memref<2x16x16xi32, #tpu.memory_space<vmem>> -> memref<1x16x16xi32, #tpu.memory_space<vmem>>
    %dma_start3A_37 = tpu.memref_squeeze %dma_start3A_36 : memref<1x16x16xi32, #tpu.memory_space<vmem>> -> memref<16x16xi32, #tpu.memory_space<vmem>>
    %dma_start3A_38 = arith.constant 0 : i32
    %dma_start3A_39 = arith.constant 0 : i32
    %dma_start3A_40 = tpu.memref_slice %arg3[%add3A_8, %dma_start3A_38, %dma_start3A_39] : memref<64x16x16xi32, #tpu.memory_space<hbm>> -> memref<1x16x16xi32, #tpu.memory_space<hbm>>
    %dma_start3A_41 = tpu.memref_squeeze %dma_start3A_40 : memref<1x16x16xi32, #tpu.memory_space<hbm>> -> memref<16x16xi32, #tpu.memory_space<hbm>>
    tpu.enqueue_dma source(%dma_start3A_41 : memref<16x16xi32, #tpu.memory_space<hbm>>) target(%dma_start3A_37 : memref<16x16xi32, #tpu.memory_space<vmem>>) target_semaphore(%arg11 : memref<!tpu.dma_semaphore, #tpu.memory_space<semaphore_mem>>)
    %dma_start3A_42 = arith.constant 0 : i32
    %dma_start3A_43 = tpu.memref_slice %arg2[%add3A_4, %dma_start3A_42] : memref<64x8192xf32, #tpu.memory_space<hbm>> -> memref<1x8192xf32, #tpu.memory_space<hbm>>
    %dma_start3A_44 = tpu.memref_squeeze %dma_start3A_43 : memref<1x8192xf32, #tpu.memory_space<hbm>> -> memref<8192xf32, #tpu.memory_space<hbm>>
    %dma_start3A_45 = arith.constant 0 : i32
    %dma_start3A_46 = tpu.memref_slice %arg2[%add3A_4, %dma_start3A_45] : memref<64x8192xf32, #tpu.memory_space<hbm>> -> memref<1x8192xf32, #tpu.memory_space<hbm>>
    %dma_start3A_47 = tpu.memref_squeeze %dma_start3A_46 : memref<1x8192xf32, #tpu.memory_space<hbm>> -> memref<8192xf32, #tpu.memory_space<hbm>>
    tpu.enqueue_dma source(%dma_start3A_47 : memref<8192xf32, #tpu.memory_space<hbm>>) target(%arg5 : memref<8192xf32, #tpu.memory_space<vmem>>) target_semaphore(%arg10 : memref<!tpu.dma_semaphore, #tpu.memory_space<semaphore_mem>>)
    %dma_start3A_48 = arith.constant 0 : i32
    %dma_start3A_49 = tpu.memref_slice %arg2[%add3A_8, %dma_start3A_48] : memref<64x8192xf32, #tpu.memory_space<hbm>> -> memref<1x8192xf32, #tpu.memory_space<hbm>>
    %dma_start3A_50 = tpu.memref_squeeze %dma_start3A_49 : memref<1x8192xf32, #tpu.memory_space<hbm>> -> memref<8192xf32, #tpu.memory_space<hbm>>
    %dma_start3A_51 = arith.constant 0 : i32
    %dma_start3A_52 = tpu.memref_slice %arg2[%add3A_8, %dma_start3A_51] : memref<64x8192xf32, #tpu.memory_space<hbm>> -> memref<1x8192xf32, #tpu.memory_space<hbm>>
    %dma_start3A_53 = tpu.memref_squeeze %dma_start3A_52 : memref<1x8192xf32, #tpu.memory_space<hbm>> -> memref<8192xf32, #tpu.memory_space<hbm>>
    tpu.enqueue_dma source(%dma_start3A_53 : memref<8192xf32, #tpu.memory_space<hbm>>) target(%arg6 : memref<8192xf32, #tpu.memory_space<vmem>>) target_semaphore(%arg11 : memref<!tpu.dma_semaphore, #tpu.memory_space<semaphore_mem>>)
    %dma_start3A_54 = arith.constant 0 : i32
    %dma_start3A_55 = tpu.memref_slice %arg2[%add3A_4, %dma_start3A_54] : memref<64x8192xf32, #tpu.memory_space<hbm>> -> memref<1x8192xf32, #tpu.memory_space<hbm>>
    %dma_start3A_56 = tpu.memref_squeeze %dma_start3A_55 : memref<1x8192xf32, #tpu.memory_space<hbm>> -> memref<8192xf32, #tpu.memory_space<hbm>>
    %dma_start3A_57 = arith.constant 0 : i32
    %dma_start3A_58 = tpu.memref_slice %arg2[%add3A_4, %dma_start3A_57] : memref<64x8192xf32, #tpu.memory_space<hbm>> -> memref<1x8192xf32, #tpu.memory_space<hbm>>
    %dma_start3A_59 = tpu.memref_squeeze %dma_start3A_58 : memref<1x8192xf32, #tpu.memory_space<hbm>> -> memref<8192xf32, #tpu.memory_space<hbm>>
    tpu.enqueue_dma source(%dma_start3A_59 : memref<8192xf32, #tpu.memory_space<hbm>>) target(%arg7 : memref<8192xf32, #tpu.memory_space<vmem>>) target_semaphore(%arg12 : memref<!tpu.dma_semaphore, #tpu.memory_space<semaphore_mem>>)
    %dma_start3A_60 = arith.constant 0 : i32
    %dma_start3A_61 = tpu.memref_slice %arg2[%add3A_8, %dma_start3A_60] : memref<64x8192xf32, #tpu.memory_space<hbm>> -> memref<1x8192xf32, #tpu.memory_space<hbm>>
    %dma_start3A_62 = tpu.memref_squeeze %dma_start3A_61 : memref<1x8192xf32, #tpu.memory_space<hbm>> -> memref<8192xf32, #tpu.memory_space<hbm>>
    %dma_start3A_63 = arith.constant 0 : i32
    %dma_start3A_64 = tpu.memref_slice %arg2[%add3A_8, %dma_start3A_63] : memref<64x8192xf32, #tpu.memory_space<hbm>> -> memref<1x8192xf32, #tpu.memory_space<hbm>>
    %dma_start3A_65 = tpu.memref_squeeze %dma_start3A_64 : memref<1x8192xf32, #tpu.memory_space<hbm>> -> memref<8192xf32, #tpu.memory_space<hbm>>
    tpu.enqueue_dma source(%dma_start3A_65 : memref<8192xf32, #tpu.memory_space<hbm>>) target(%arg8 : memref<8192xf32, #tpu.memory_space<vmem>>) target_semaphore(%arg13 : memref<!tpu.dma_semaphore, #tpu.memory_space<semaphore_mem>>)
    %dma_wait3A = arith.constant 0 : i32
    %dma_wait3A_66 = arith.constant 0 : i32
    %dma_wait3A_67 = arith.constant 0 : i32
    %dma_wait3A_68 = tpu.memref_slice %arg9[%dma_wait3A, %dma_wait3A_66, %dma_wait3A_67] : memref<2x16x16xi32, #tpu.memory_space<vmem>> -> memref<1x16x16xi32, #tpu.memory_space<vmem>>
    %dma_wait3A_69 = tpu.memref_squeeze %dma_wait3A_68 : memref<1x16x16xi32, #tpu.memory_space<vmem>> -> memref<16x16xi32, #tpu.memory_space<vmem>>
    %dma_wait3A_70 = arith.constant 0 : i32
    %dma_wait3A_71 = arith.constant 0 : i32
    %dma_wait3A_72 = tpu.memref_slice %arg3[%add3A_4, %dma_wait3A_70, %dma_wait3A_71] : memref<64x16x16xi32, #tpu.memory_space<hbm>> -> memref<1x16x16xi32, #tpu.memory_space<hbm>>
    %dma_wait3A_73 = tpu.memref_squeeze %dma_wait3A_72 : memref<1x16x16xi32, #tpu.memory_space<hbm>> -> memref<16x16xi32, #tpu.memory_space<hbm>>
    %dma_wait3A_74 = arith.constant 0 : i32
    %dma_wait3A_75 = arith.constant 0 : i32
    %dma_wait3A_76 = tpu.memref_slice %arg9[%dma_wait3A, %dma_wait3A_74, %dma_wait3A_75] : memref<2x16x16xi32, #tpu.memory_space<vmem>> -> memref<1x16x16xi32, #tpu.memory_space<vmem>>
    %dma_wait3A_77 = tpu.memref_squeeze %dma_wait3A_76 : memref<1x16x16xi32, #tpu.memory_space<vmem>> -> memref<16x16xi32, #tpu.memory_space<vmem>>
    %dma_wait3A_78 = arith.constant 0 : i32
    %dma_wait3A_79 = arith.constant 0 : i32
    %dma_wait3A_80 = tpu.memref_slice %arg3[%add3A_4, %dma_wait3A_78, %dma_wait3A_79] : memref<64x16x16xi32, #tpu.memory_space<hbm>> -> memref<1x16x16xi32, #tpu.memory_space<hbm>>
    %dma_wait3A_81 = tpu.memref_squeeze %dma_wait3A_80 : memref<1x16x16xi32, #tpu.memory_space<hbm>> -> memref<16x16xi32, #tpu.memory_space<hbm>>
    tpu.wait_dma2 semaphore(%arg10 : memref<!tpu.dma_semaphore, #tpu.memory_space<semaphore_mem>>) src(%dma_wait3A_81 : memref<16x16xi32, #tpu.memory_space<hbm>>) dst(%dma_wait3A_77 : memref<16x16xi32, #tpu.memory_space<vmem>>)
    %dma_wait3A_82 = arith.constant 1 : i32
    %dma_wait3A_83 = arith.constant 0 : i32
    %dma_wait3A_84 = arith.constant 0 : i32
    %dma_wait3A_85 = tpu.memref_slice %arg9[%dma_wait3A_82, %dma_wait3A_83, %dma_wait3A_84] : memref<2x16x16xi32, #tpu.memory_space<vmem>> -> memref<1x16x16xi32, #tpu.memory_space<vmem>>
    %dma_wait3A_86 = tpu.memref_squeeze %dma_wait3A_85 : memref<1x16x16xi32, #tpu.memory_space<vmem>> -> memref<16x16xi32, #tpu.memory_space<vmem>>
    %dma_wait3A_87 = arith.constant 0 : i32
    %dma_wait3A_88 = arith.constant 0 : i32
    %dma_wait3A_89 = tpu.memref_slice %arg3[%add3A_8, %dma_wait3A_87, %dma_wait3A_88] : memref<64x16x16xi32, #tpu.memory_space<hbm>> -> memref<1x16x16xi32, #tpu.memory_space<hbm>>
    %dma_wait3A_90 = tpu.memref_squeeze %dma_wait3A_89 : memref<1x16x16xi32, #tpu.memory_space<hbm>> -> memref<16x16xi32, #tpu.memory_space<hbm>>
    %dma_wait3A_91 = arith.constant 0 : i32
    %dma_wait3A_92 = arith.constant 0 : i32
    %dma_wait3A_93 = tpu.memref_slice %arg9[%dma_wait3A_82, %dma_wait3A_91, %dma_wait3A_92] : memref<2x16x16xi32, #tpu.memory_space<vmem>> -> memref<1x16x16xi32, #tpu.memory_space<vmem>>
    %dma_wait3A_94 = tpu.memref_squeeze %dma_wait3A_93 : memref<1x16x16xi32, #tpu.memory_space<vmem>> -> memref<16x16xi32, #tpu.memory_space<vmem>>
    %dma_wait3A_95 = arith.constant 0 : i32
    %dma_wait3A_96 = arith.constant 0 : i32
    %dma_wait3A_97 = tpu.memref_slice %arg3[%add3A_8, %dma_wait3A_95, %dma_wait3A_96] : memref<64x16x16xi32, #tpu.memory_space<hbm>> -> memref<1x16x16xi32, #tpu.memory_space<hbm>>
    %dma_wait3A_98 = tpu.memref_squeeze %dma_wait3A_97 : memref<1x16x16xi32, #tpu.memory_space<hbm>> -> memref<16x16xi32, #tpu.memory_space<hbm>>
    tpu.wait_dma2 semaphore(%arg11 : memref<!tpu.dma_semaphore, #tpu.memory_space<semaphore_mem>>) src(%dma_wait3A_98 : memref<16x16xi32, #tpu.memory_space<hbm>>) dst(%dma_wait3A_94 : memref<16x16xi32, #tpu.memory_space<vmem>>)
    %dma_wait3A_99 = arith.constant 0 : i32
    %dma_wait3A_100 = tpu.memref_slice %arg2[%add3A_4, %dma_wait3A_99] : memref<64x8192xf32, #tpu.memory_space<hbm>> -> memref<1x8192xf32, #tpu.memory_space<hbm>>
    %dma_wait3A_101 = tpu.memref_squeeze %dma_wait3A_100 : memref<1x8192xf32, #tpu.memory_space<hbm>> -> memref<8192xf32, #tpu.memory_space<hbm>>
    %dma_wait3A_102 = arith.constant 0 : i32
    %dma_wait3A_103 = tpu.memref_slice %arg2[%add3A_4, %dma_wait3A_102] : memref<64x8192xf32, #tpu.memory_space<hbm>> -> memref<1x8192xf32, #tpu.memory_space<hbm>>
    %dma_wait3A_104 = tpu.memref_squeeze %dma_wait3A_103 : memref<1x8192xf32, #tpu.memory_space<hbm>> -> memref<8192xf32, #tpu.memory_space<hbm>>
    tpu.wait_dma2 semaphore(%arg10 : memref<!tpu.dma_semaphore, #tpu.memory_space<semaphore_mem>>) src(%dma_wait3A_104 : memref<8192xf32, #tpu.memory_space<hbm>>) dst(%arg5 : memref<8192xf32, #tpu.memory_space<vmem>>)
    %dma_wait3A_105 = arith.constant 0 : i32
    %dma_wait3A_106 = tpu.memref_slice %arg2[%add3A_8, %dma_wait3A_105] : memref<64x8192xf32, #tpu.memory_space<hbm>> -> memref<1x8192xf32, #tpu.memory_space<hbm>>
    %dma_wait3A_107 = tpu.memref_squeeze %dma_wait3A_106 : memref<1x8192xf32, #tpu.memory_space<hbm>> -> memref<8192xf32, #tpu.memory_space<hbm>>
    %dma_wait3A_108 = arith.constant 0 : i32
    %dma_wait3A_109 = tpu.memref_slice %arg2[%add3A_8, %dma_wait3A_108] : memref<64x8192xf32, #tpu.memory_space<hbm>> -> memref<1x8192xf32, #tpu.memory_space<hbm>>
    %dma_wait3A_110 = tpu.memref_squeeze %dma_wait3A_109 : memref<1x8192xf32, #tpu.memory_space<hbm>> -> memref<8192xf32, #tpu.memory_space<hbm>>
    tpu.wait_dma2 semaphore(%arg11 : memref<!tpu.dma_semaphore, #tpu.memory_space<semaphore_mem>>) src(%dma_wait3A_110 : memref<8192xf32, #tpu.memory_space<hbm>>) dst(%arg6 : memref<8192xf32, #tpu.memory_space<vmem>>)
    %dma_wait3A_111 = arith.constant 0 : i32
    %dma_wait3A_112 = tpu.memref_slice %arg2[%add3A_4, %dma_wait3A_111] : memref<64x8192xf32, #tpu.memory_space<hbm>> -> memref<1x8192xf32, #tpu.memory_space<hbm>>
    %dma_wait3A_113 = tpu.memref_squeeze %dma_wait3A_112 : memref<1x8192xf32, #tpu.memory_space<hbm>> -> memref<8192xf32, #tpu.memory_space<hbm>>
    %dma_wait3A_114 = arith.constant 0 : i32
    %dma_wait3A_115 = tpu.memref_slice %arg2[%add3A_4, %dma_wait3A_114] : memref<64x8192xf32, #tpu.memory_space<hbm>> -> memref<1x8192xf32, #tpu.memory_space<hbm>>
    %dma_wait3A_116 = tpu.memref_squeeze %dma_wait3A_115 : memref<1x8192xf32, #tpu.memory_space<hbm>> -> memref<8192xf32, #tpu.memory_space<hbm>>
    tpu.wait_dma2 semaphore(%arg12 : memref<!tpu.dma_semaphore, #tpu.memory_space<semaphore_mem>>) src(%dma_wait3A_116 : memref<8192xf32, #tpu.memory_space<hbm>>) dst(%arg7 : memref<8192xf32, #tpu.memory_space<vmem>>)
    %dma_wait3A_117 = arith.constant 0 : i32
    %dma_wait3A_118 = tpu.memref_slice %arg2[%add3A_8, %dma_wait3A_117] : memref<64x8192xf32, #tpu.memory_space<hbm>> -> memref<1x8192xf32, #tpu.memory_space<hbm>>
    %dma_wait3A_119 = tpu.memref_squeeze %dma_wait3A_118 : memref<1x8192xf32, #tpu.memory_space<hbm>> -> memref<8192xf32, #tpu.memory_space<hbm>>
    %dma_wait3A_120 = arith.constant 0 : i32
    %dma_wait3A_121 = tpu.memref_slice %arg2[%add3A_8, %dma_wait3A_120] : memref<64x8192xf32, #tpu.memory_space<hbm>> -> memref<1x8192xf32, #tpu.memory_space<hbm>>
    %dma_wait3A_122 = tpu.memref_squeeze %dma_wait3A_121 : memref<1x8192xf32, #tpu.memory_space<hbm>> -> memref<8192xf32, #tpu.memory_space<hbm>>
    tpu.wait_dma2 semaphore(%arg13 : memref<!tpu.dma_semaphore, #tpu.memory_space<semaphore_mem>>) src(%dma_wait3A_122 : memref<8192xf32, #tpu.memory_space<hbm>>) dst(%arg8 : memref<8192xf32, #tpu.memory_space<vmem>>)
    %get3A = arith.constant 0 : i32
    %get3A_123 = arith.constant 0 : i32
    %get3A_124 = arith.index_cast %get3A : i32 to index
    %get3A_125 = arith.index_cast %get3A_123 : i32 to index
    %get3A_126 = arith.constant 0 : index
    %get3A_127 = tpu.vector_load %arg9[%get3A_124, %get3A_125, %get3A_126] {strides = array<i32>} : memref<2x16x16xi32, #tpu.memory_space<vmem>>, vector<16xi32>,
    %gather3A = tpu.vector_load_idx %arg5[%get3A_127] : memref<8192xf32, #tpu.memory_space<vmem>>[vector<16xi32>], vector<16xf32>,
    %sub3A = arith.constant 1.000000e+00 : f32
    %sub3A_128 = vector.broadcast %sub3A : f32 to vector<16xf32>
    %sub3A_129 = arith.subf %sub3A_128, %gather3A : vector<16xf32>
    tpu.vector_store_idx %arg5[%get3A_127], %sub3A_129 : memref<8192xf32, #tpu.memory_space<vmem>>[vector<16xi32>], vector<16xf32>,
    %dma_start3A_130 = arith.constant 0 : i32
    %dma_start3A_131 = arith.constant 0 : i32
    %dma_start3A_132 = tpu.memref_slice %arg4[%add3A_4, %dma_start3A_130, %dma_start3A_131] : memref<64x16x8192xf32, #tpu.memory_space<hbm>> -> memref<1x1x8192xf32, #tpu.memory_space<hbm>>
    %dma_start3A_133 = tpu.memref_squeeze %dma_start3A_132 : memref<1x1x8192xf32, #tpu.memory_space<hbm>> -> memref<8192xf32, #tpu.memory_space<hbm>>
    %dma_start3A_134 = arith.constant 0 : i32
    %dma_start3A_135 = tpu.memref_slice %arg4[%add3A_4, %dma_start3A_130, %dma_start3A_134] : memref<64x16x8192xf32, #tpu.memory_space<hbm>> -> memref<1x1x8192xf32, #tpu.memory_space<hbm>>
    %dma_start3A_136 = tpu.memref_squeeze %dma_start3A_135 : memref<1x1x8192xf32, #tpu.memory_space<hbm>> -> memref<8192xf32, #tpu.memory_space<hbm>>
    tpu.enqueue_dma source(%arg5 : memref<8192xf32, #tpu.memory_space<vmem>>) target(%dma_start3A_136 : memref<8192xf32, #tpu.memory_space<hbm>>) target_semaphore(%arg10 : memref<!tpu.dma_semaphore, #tpu.memory_space<semaphore_mem>>)
    %get3A_137 = arith.constant 1 : i32
    %get3A_138 = arith.constant 0 : i32
    %get3A_139 = arith.index_cast %get3A_137 : i32 to index
    %get3A_140 = arith.index_cast %get3A_138 : i32 to index
    %get3A_141 = arith.constant 0 : index
    %get3A_142 = tpu.vector_load %arg9[%get3A_139, %get3A_140, %get3A_141] {strides = array<i32>} : memref<2x16x16xi32, #tpu.memory_space<vmem>>, vector<16xi32>,
    %gather3A_143 = tpu.vector_load_idx %arg6[%get3A_142] : memref<8192xf32, #tpu.memory_space<vmem>>[vector<16xi32>], vector<16xf32>,
    %sub3A_144 = arith.constant 1.000000e+00 : f32
    %sub3A_145 = vector.broadcast %sub3A_144 : f32 to vector<16xf32>
    %sub3A_146 = arith.subf %sub3A_145, %gather3A_143 : vector<16xf32>
    tpu.vector_store_idx %arg6[%get3A_142], %sub3A_146 : memref<8192xf32, #tpu.memory_space<vmem>>[vector<16xi32>], vector<16xf32>,
    %dma_start3A_147 = arith.constant 0 : i32
    %dma_start3A_148 = arith.constant 0 : i32
    %dma_start3A_149 = tpu.memref_slice %arg4[%add3A_8, %dma_start3A_147, %dma_start3A_148] : memref<64x16x8192xf32, #tpu.memory_space<hbm>> -> memref<1x1x8192xf32, #tpu.memory_space<hbm>>
    %dma_start3A_150 = tpu.memref_squeeze %dma_start3A_149 : memref<1x1x8192xf32, #tpu.memory_space<hbm>> -> memref<8192xf32, #tpu.memory_space<hbm>>
    %dma_start3A_151 = arith.constant 0 : i32
    %dma_start3A_152 = tpu.memref_slice %arg4[%add3A_8, %dma_start3A_147, %dma_start3A_151] : memref<64x16x8192xf32, #tpu.memory_space<hbm>> -> memref<1x1x8192xf32, #tpu.memory_space<hbm>>
    %dma_start3A_153 = tpu.memref_squeeze %dma_start3A_152 : memref<1x1x8192xf32, #tpu.memory_space<hbm>> -> memref<8192xf32, #tpu.memory_space<hbm>>
    tpu.enqueue_dma source(%arg6 : memref<8192xf32, #tpu.memory_space<vmem>>) target(%dma_start3A_153 : memref<8192xf32, #tpu.memory_space<hbm>>) target_semaphore(%arg11 : memref<!tpu.dma_semaphore, #tpu.memory_space<semaphore_mem>>)
    %get3A_154 = arith.constant 0 : i32
    %get3A_155 = arith.constant 1 : i32
    %get3A_156 = arith.index_cast %get3A_154 : i32 to index
    %get3A_157 = arith.index_cast %get3A_155 : i32 to index
    %get3A_158 = arith.constant 0 : index
    %get3A_159 = tpu.vector_load %arg9[%get3A_156, %get3A_157, %get3A_158] {strides = array<i32>} : memref<2x16x16xi32, #tpu.memory_space<vmem>>, vector<16xi32>,
    %gather3A_160 = tpu.vector_load_idx %arg7[%get3A_159] : memref<8192xf32, #tpu.memory_space<vmem>>[vector<16xi32>], vector<16xf32>,
    %sub3A_161 = arith.constant 1.000000e+00 : f32
    %sub3A_162 = vector.broadcast %sub3A_161 : f32 to vector<16xf32>
    %sub3A_163 = arith.subf %sub3A_162, %gather3A_160 : vector<16xf32>
    tpu.vector_store_idx %arg7[%get3A_159], %sub3A_163 : memref<8192xf32, #tpu.memory_space<vmem>>[vector<16xi32>], vector<16xf32>,
    %dma_start3A_164 = arith.constant 1 : i32
    %dma_start3A_165 = arith.constant 0 : i32
    %dma_start3A_166 = tpu.memref_slice %arg4[%add3A_4, %dma_start3A_164, %dma_start3A_165] : memref<64x16x8192xf32, #tpu.memory_space<hbm>> -> memref<1x1x8192xf32, #tpu.memory_space<hbm>>
    %dma_start3A_167 = tpu.memref_squeeze %dma_start3A_166 : memref<1x1x8192xf32, #tpu.memory_space<hbm>> -> memref<8192xf32, #tpu.memory_space<hbm>>
    %dma_start3A_168 = arith.constant 0 : i32
    %dma_start3A_169 = tpu.memref_slice %arg4[%add3A_4, %dma_start3A_164, %dma_start3A_168] : memref<64x16x8192xf32, #tpu.memory_space<hbm>> -> memref<1x1x8192xf32, #tpu.memory_space<hbm>>
    %dma_start3A_170 = tpu.memref_squeeze %dma_start3A_169 : memref<1x1x8192xf32, #tpu.memory_space<hbm>> -> memref<8192xf32, #tpu.memory_space<hbm>>
    tpu.enqueue_dma source(%arg7 : memref<8192xf32, #tpu.memory_space<vmem>>) target(%dma_start3A_170 : memref<8192xf32, #tpu.memory_space<hbm>>) target_semaphore(%arg12 : memref<!tpu.dma_semaphore, #tpu.memory_space<semaphore_mem>>)
    %get3A_171 = arith.constant 1 : i32
    %get3A_172 = arith.constant 1 : i32
    %get3A_173 = arith.index_cast %get3A_171 : i32 to index
    %get3A_174 = arith.index_cast %get3A_172 : i32 to index
    %get3A_175 = arith.constant 0 : index
    %get3A_176 = tpu.vector_load %arg9[%get3A_173, %get3A_174, %get3A_175] {strides = array<i32>} : memref<2x16x16xi32, #tpu.memory_space<vmem>>, vector<16xi32>,
    %gather3A_177 = tpu.vector_load_idx %arg8[%get3A_176] : memref<8192xf32, #tpu.memory_space<vmem>>[vector<16xi32>], vector<16xf32>,
    %sub3A_178 = arith.constant 1.000000e+00 : f32
    %sub3A_179 = vector.broadcast %sub3A_178 : f32 to vector<16xf32>
    %sub3A_180 = arith.subf %sub3A_179, %gather3A_177 : vector<16xf32>
    tpu.vector_store_idx %arg8[%get3A_176], %sub3A_180 : memref<8192xf32, #tpu.memory_space<vmem>>[vector<16xi32>], vector<16xf32>,
    %dma_start3A_181 = arith.constant 1 : i32
    %dma_start3A_182 = arith.constant 0 : i32
    %dma_start3A_183 = tpu.memref_slice %arg4[%add3A_8, %dma_start3A_181, %dma_start3A_182] : memref<64x16x8192xf32, #tpu.memory_space<hbm>> -> memref<1x1x8192xf32, #tpu.memory_space<hbm>>
    %dma_start3A_184 = tpu.memref_squeeze %dma_start3A_183 : memref<1x1x8192xf32, #tpu.memory_space<hbm>> -> memref<8192xf32, #tpu.memory_space<hbm>>
    %dma_start3A_185 = arith.constant 0 : i32
    %dma_start3A_186 = tpu.memref_slice %arg4[%add3A_8, %dma_start3A_181, %dma_start3A_185] : memref<64x16x8192xf32, #tpu.memory_space<hbm>> -> memref<1x1x8192xf32, #tpu.memory_space<hbm>>
    %dma_start3A_187 = tpu.memref_squeeze %dma_start3A_186 : memref<1x1x8192xf32, #tpu.memory_space<hbm>> -> memref<8192xf32, #tpu.memory_space<hbm>>
    tpu.enqueue_dma source(%arg8 : memref<8192xf32, #tpu.memory_space<vmem>>) target(%dma_start3A_187 : memref<8192xf32, #tpu.memory_space<hbm>>) target_semaphore(%arg13 : memref<!tpu.dma_semaphore, #tpu.memory_space<semaphore_mem>>)
    %dma_wait3A_188 = arith.constant 0 : i32
    %dma_wait3A_189 = arith.constant 0 : i32
    %dma_wait3A_190 = tpu.memref_slice %arg4[%add3A_4, %dma_wait3A_188, %dma_wait3A_189] : memref<64x16x8192xf32, #tpu.memory_space<hbm>> -> memref<1x1x8192xf32, #tpu.memory_space<hbm>>
    %dma_wait3A_191 = tpu.memref_squeeze %dma_wait3A_190 : memref<1x1x8192xf32, #tpu.memory_space<hbm>> -> memref<8192xf32, #tpu.memory_space<hbm>>
    %dma_wait3A_192 = arith.constant 0 : i32
    %dma_wait3A_193 = tpu.memref_slice %arg4[%add3A_4, %dma_wait3A_188, %dma_wait3A_192] : memref<64x16x8192xf32, #tpu.memory_space<hbm>> -> memref<1x1x8192xf32, #tpu.memory_space<hbm>>
    %dma_wait3A_194 = tpu.memref_squeeze %dma_wait3A_193 : memref<1x1x8192xf32, #tpu.memory_space<hbm>> -> memref<8192xf32, #tpu.memory_space<hbm>>
    tpu.wait_dma2 semaphore(%arg10 : memref<!tpu.dma_semaphore, #tpu.memory_space<semaphore_mem>>) src(%arg5 : memref<8192xf32, #tpu.memory_space<vmem>>) dst(%dma_wait3A_194 : memref<8192xf32, #tpu.memory_space<hbm>>)
    tpu.vector_store_idx %arg5[%get3A_127], %gather3A : memref<8192xf32, #tpu.memory_space<vmem>>[vector<16xi32>], vector<16xf32>,
    %get3A_195 = arith.constant 0 : i32
    %get3A_196 = arith.constant 2 : i32
    %get3A_197 = arith.index_cast %get3A_195 : i32 to index
    %get3A_198 = arith.index_cast %get3A_196 : i32 to index
    %get3A_199 = arith.constant 0 : index
    %get3A_200 = tpu.vector_load %arg9[%get3A_197, %get3A_198, %get3A_199] {strides = array<i32>} : memref<2x16x16xi32, #tpu.memory_space<vmem>>, vector<16xi32>,
    %gather3A_201 = tpu.vector_load_idx %arg5[%get3A_200] : memref<8192xf32, #tpu.memory_space<vmem>>[vector<16xi32>], vector<16xf32>,
    %sub3A_202 = arith.constant 1.000000e+00 : f32
    %sub3A_203 = vector.broadcast %sub3A_202 : f32 to vector<16xf32>
    %sub3A_204 = arith.subf %sub3A_203, %gather3A_201 : vector<16xf32>
    tpu.vector_store_idx %arg5[%get3A_200], %sub3A_204 : memref<8192xf32, #tpu.memory_space<vmem>>[vector<16xi32>], vector<16xf32>,
    %dma_start3A_205 = arith.constant 2 : i32
    %dma_start3A_206 = arith.constant 0 : i32
    %dma_start3A_207 = tpu.memref_slice %arg4[%add3A_4, %dma_start3A_205, %dma_start3A_206] : memref<64x16x8192xf32, #tpu.memory_space<hbm>> -> memref<1x1x8192xf32, #tpu.memory_space<hbm>>
    %dma_start3A_208 = tpu.memref_squeeze %dma_start3A_207 : memref<1x1x8192xf32, #tpu.memory_space<hbm>> -> memref<8192xf32, #tpu.memory_space<hbm>>
    %dma_start3A_209 = arith.constant 0 : i32
    %dma_start3A_210 = tpu.memref_slice %arg4[%add3A_4, %dma_start3A_205, %dma_start3A_209] : memref<64x16x8192xf32, #tpu.memory_space<hbm>> -> memref<1x1x8192xf32, #tpu.memory_space<hbm>>
    %dma_start3A_211 = tpu.memref_squeeze %dma_start3A_210 : memref<1x1x8192xf32, #tpu.memory_space<hbm>> -> memref<8192xf32, #tpu.memory_space<hbm>>
    tpu.enqueue_dma source(%arg5 : memref<8192xf32, #tpu.memory_space<vmem>>) target(%dma_start3A_211 : memref<8192xf32, #tpu.memory_space<hbm>>) target_semaphore(%arg10 : memref<!tpu.dma_semaphore, #tpu.memory_space<semaphore_mem>>)
    %dma_wait3A_212 = arith.constant 0 : i32
    %dma_wait3A_213 = arith.constant 0 : i32
    %dma_wait3A_214 = tpu.memref_slice %arg4[%add3A_8, %dma_wait3A_212, %dma_wait3A_213] : memref<64x16x8192xf32, #tpu.memory_space<hbm>> -> memref<1x1x8192xf32, #tpu.memory_space<hbm>>
    %dma_wait3A_215 = tpu.memref_squeeze %dma_wait3A_214 : memref<1x1x8192xf32, #tpu.memory_space<hbm>> -> memref<8192xf32, #tpu.memory_space<hbm>>
    %dma_wait3A_216 = arith.constant 0 : i32
    %dma_wait3A_217 = tpu.memref_slice %arg4[%add3A_8, %dma_wait3A_212, %dma_wait3A_216] : memref<64x16x8192xf32, #tpu.memory_space<hbm>> -> memref<1x1x8192xf32, #tpu.memory_space<hbm>>
    %dma_wait3A_218 = tpu.memref_squeeze %dma_wait3A_217 : memref<1x1x8192xf32, #tpu.memory_space<hbm>> -> memref<8192xf32, #tpu.memory_space<hbm>>
    tpu.wait_dma2 semaphore(%arg11 : memref<!tpu.dma_semaphore, #tpu.memory_space<semaphore_mem>>) src(%arg6 : memref<8192xf32, #tpu.memory_space<vmem>>) dst(%dma_wait3A_218 : memref<8192xf32, #tpu.memory_space<hbm>>)
    tpu.vector_store_idx %arg6[%get3A_142], %gather3A_143 : memref<8192xf32, #tpu.memory_space<vmem>>[vector<16xi32>], vector<16xf32>,
    %get3A_219 = arith.constant 1 : i32
    %get3A_220 = arith.constant 2 : i32
    %get3A_221 = arith.index_cast %get3A_219 : i32 to index
    %get3A_222 = arith.index_cast %get3A_220 : i32 to index
    %get3A_223 = arith.constant 0 : index
    %get3A_224 = tpu.vector_load %arg9[%get3A_221, %get3A_222, %get3A_223] {strides = array<i32>} : memref<2x16x16xi32, #tpu.memory_space<vmem>>, vector<16xi32>,
    %gather3A_225 = tpu.vector_load_idx %arg6[%get3A_224] : memref<8192xf32, #tpu.memory_space<vmem>>[vector<16xi32>], vector<16xf32>,
    %sub3A_226 = arith.constant 1.000000e+00 : f32
    %sub3A_227 = vector.broadcast %sub3A_226 : f32 to vector<16xf32>
    %sub3A_228 = arith.subf %sub3A_227, %gather3A_225 : vector<16xf32>
    tpu.vector_store_idx %arg6[%get3A_224], %sub3A_228 : memref<8192xf32, #tpu.memory_space<vmem>>[vector<16xi32>], vector<16xf32>,
    %dma_start3A_229 = arith.constant 2 : i32
    %dma_start3A_230 = arith.constant 0 : i32
    %dma_start3A_231 = tpu.memref_slice %arg4[%add3A_8, %dma_start3A_229, %dma_start3A_230] : memref<64x16x8192xf32, #tpu.memory_space<hbm>> -> memref<1x1x8192xf32, #tpu.memory_space<hbm>>
    %dma_start3A_232 = tpu.memref_squeeze %dma_start3A_231 : memref<1x1x8192xf32, #tpu.memory_space<hbm>> -> memref<8192xf32, #tpu.memory_space<hbm>>
    %dma_start3A_233 = arith.constant 0 : i32
    %dma_start3A_234 = tpu.memref_slice %arg4[%add3A_8, %dma_start3A_229, %dma_start3A_233] : memref<64x16x8192xf32, #tpu.memory_space<hbm>> -> memref<1x1x8192xf32, #tpu.memory_space<hbm>>
    %dma_start3A_235 = tpu.memref_squeeze %dma_start3A_234 : memref<1x1x8192xf32, #tpu.memory_space<hbm>> -> memref<8192xf32, #tpu.memory_space<hbm>>
    tpu.enqueue_dma source(%arg6 : memref<8192xf32, #tpu.memory_space<vmem>>) target(%dma_start3A_235 : memref<8192xf32, #tpu.memory_space<hbm>>) target_semaphore(%arg11 : memref<!tpu.dma_semaphore, #tpu.memory_space<semaphore_mem>>)
    %dma_wait3A_236 = arith.constant 1 : i32
    %dma_wait3A_237 = arith.constant 0 : i32
    %dma_wait3A_238 = tpu.memref_slice %arg4[%add3A_4, %dma_wait3A_236, %dma_wait3A_237] : memref<64x16x8192xf32, #tpu.memory_space<hbm>> -> memref<1x1x8192xf32, #tpu.memory_space<hbm>>
    %dma_wait3A_239 = tpu.memref_squeeze %dma_wait3A_238 : memref<1x1x8192xf32, #tpu.memory_space<hbm>> -> memref<8192xf32, #tpu.memory_space<hbm>>
    %dma_wait3A_240 = arith.constant 0 : i32
    %dma_wait3A_241 = tpu.memref_slice %arg4[%add3A_4, %dma_wait3A_236, %dma_wait3A_240] : memref<64x16x8192xf32, #tpu.memory_space<hbm>> -> memref<1x1x8192xf32, #tpu.memory_space<hbm>>
    %dma_wait3A_242 = tpu.memref_squeeze %dma_wait3A_241 : memref<1x1x8192xf32, #tpu.memory_space<hbm>> -> memref<8192xf32, #tpu.memory_space<hbm>>
    tpu.wait_dma2 semaphore(%arg12 : memref<!tpu.dma_semaphore, #tpu.memory_space<semaphore_mem>>) src(%arg7 : memref<8192xf32, #tpu.memory_space<vmem>>) dst(%dma_wait3A_242 : memref<8192xf32, #tpu.memory_space<hbm>>)
    tpu.vector_store_idx %arg7[%get3A_159], %gather3A_160 : memref<8192xf32, #tpu.memory_space<vmem>>[vector<16xi32>], vector<16xf32>,
    %get3A_243 = arith.constant 0 : i32
    %get3A_244 = arith.constant 3 : i32
    %get3A_245 = arith.index_cast %get3A_243 : i32 to index
    %get3A_246 = arith.index_cast %get3A_244 : i32 to index
    %get3A_247 = arith.constant 0 : index
    %get3A_248 = tpu.vector_load %arg9[%get3A_245, %get3A_246, %get3A_247] {strides = array<i32>} : memref<2x16x16xi32, #tpu.memory_space<vmem>>, vector<16xi32>,
    %gather3A_249 = tpu.vector_load_idx %arg7[%get3A_248] : memref<8192xf32, #tpu.memory_space<vmem>>[vector<16xi32>], vector<16xf32>,
    %sub3A_250 = arith.constant 1.000000e+00 : f32
    %sub3A_251 = vector.broadcast %sub3A_250 : f32 to vector<16xf32>
    %sub3A_252 = arith.subf %sub3A_251, %gather3A_249 : vector<16xf32>
    tpu.vector_store_idx %arg7[%get3A_248], %sub3A_252 : memref<8192xf32, #tpu.memory_space<vmem>>[vector<16xi32>], vector<16xf32>,
    %dma_start3A_253 = arith.constant 3 : i32
    %dma_start3A_254 = arith.constant 0 : i32
    %dma_start3A_255 = tpu.memref_slice %arg4[%add3A_4, %dma_start3A_253, %dma_start3A_254] : memref<64x16x8192xf32, #tpu.memory_space<hbm>> -> memref<1x1x8192xf32, #tpu.memory_space<hbm>>
    %dma_start3A_256 = tpu.memref_squeeze %dma_start3A_255 : memref<1x1x8192xf32, #tpu.memory_space<hbm>> -> memref<8192xf32, #tpu.memory_space<hbm>>
    %dma_start3A_257 = arith.constant 0 : i32
    %dma_start3A_258 = tpu.memref_slice %arg4[%add3A_4, %dma_start3A_253, %dma_start3A_257] : memref<64x16x8192xf32, #tpu.memory_space<hbm>> -> memref<1x1x8192xf32, #tpu.memory_space<hbm>>
    %dma_start3A_259 = tpu.memref_squeeze %dma_start3A_258 : memref<1x1x8192xf32, #tpu.memory_space<hbm>> -> memref<8192xf32, #tpu.memory_space<hbm>>
    tpu.enqueue_dma source(%arg7 : memref<8192xf32, #tpu.memory_space<vmem>>) target(%dma_start3A_259 : memref<8192xf32, #tpu.memory_space<hbm>>) target_semaphore(%arg12 : memref<!tpu.dma_semaphore, #tpu.memory_space<semaphore_mem>>)
    %dma_wait3A_260 = arith.constant 1 : i32
    %dma_wait3A_261 = arith.constant 0 : i32
    %dma_wait3A_262 = tpu.memref_slice %arg4[%add3A_8, %dma_wait3A_260, %dma_wait3A_261] : memref<64x16x8192xf32, #tpu.memory_space<hbm>> -> memref<1x1x8192xf32, #tpu.memory_space<hbm>>
    %dma_wait3A_263 = tpu.memref_squeeze %dma_wait3A_262 : memref<1x1x8192xf32, #tpu.memory_space<hbm>> -> memref<8192xf32, #tpu.memory_space<hbm>>
    %dma_wait3A_264 = arith.constant 0 : i32
    %dma_wait3A_265 = tpu.memref_slice %arg4[%add3A_8, %dma_wait3A_260, %dma_wait3A_264] : memref<64x16x8192xf32, #tpu.memory_space<hbm>> -> memref<1x1x8192xf32, #tpu.memory_space<hbm>>
    %dma_wait3A_266 = tpu.memref_squeeze %dma_wait3A_265 : memref<1x1x8192xf32, #tpu.memory_space<hbm>> -> memref<8192xf32, #tpu.memory_space<hbm>>
    tpu.wait_dma2 semaphore(%arg13 : memref<!tpu.dma_semaphore, #tpu.memory_space<semaphore_mem>>) src(%arg8 : memref<8192xf32, #tpu.memory_space<vmem>>) dst(%dma_wait3A_266 : memref<8192xf32, #tpu.memory_space<hbm>>)
    tpu.vector_store_idx %arg8[%get3A_176], %gather3A_177 : memref<8192xf32, #tpu.memory_space<vmem>>[vector<16xi32>], vector<16xf32>,
    %get3A_267 = arith.constant 1 : i32
    %get3A_268 = arith.constant 3 : i32
    %get3A_269 = arith.index_cast %get3A_267 : i32 to index
    %get3A_270 = arith.index_cast %get3A_268 : i32 to index
    %get3A_271 = arith.constant 0 : index
    %get3A_272 = tpu.vector_load %arg9[%get3A_269, %get3A_270, %get3A_271] {strides = array<i32>} : memref<2x16x16xi32, #tpu.memory_space<vmem>>, vector<16xi32>,
    %gather3A_273 = tpu.vector_load_idx %arg8[%get3A_272] : memref<8192xf32, #tpu.memory_space<vmem>>[vector<16xi32>], vector<16xf32>,
    %sub3A_274 = arith.constant 1.000000e+00 : f32
    %sub3A_275 = vector.broadcast %sub3A_274 : f32 to vector<16xf32>
    %sub3A_276 = arith.subf %sub3A_275, %gather3A_273 : vector<16xf32>
    tpu.vector_store_idx %arg8[%get3A_272], %sub3A_276 : memref<8192xf32, #tpu.memory_space<vmem>>[vector<16xi32>], vector<16xf32>,
    %dma_start3A_277 = arith.constant 3 : i32
    %dma_start3A_278 = arith.constant 0 : i32
    %dma_start3A_279 = tpu.memref_slice %arg4[%add3A_8, %dma_start3A_277, %dma_start3A_278] : memref<64x16x8192xf32, #tpu.memory_space<hbm>> -> memref<1x1x8192xf32, #tpu.memory_space<hbm>>
    %dma_start3A_280 = tpu.memref_squeeze %dma_start3A_279 : memref<1x1x8192xf32, #tpu.memory_space<hbm>> -> memref<8192xf32, #tpu.memory_space<hbm>>
    %dma_start3A_281 = arith.constant 0 : i32
    %dma_start3A_282 = tpu.memref_slice %arg4[%add3A_8, %dma_start3A_277, %dma_start3A_281] : memref<64x16x8192xf32, #tpu.memory_space<hbm>> -> memref<1x1x8192xf32, #tpu.memory_space<hbm>>
    %dma_start3A_283 = tpu.memref_squeeze %dma_start3A_282 : memref<1x1x8192xf32, #tpu.memory_space<hbm>> -> memref<8192xf32, #tpu.memory_space<hbm>>
    tpu.enqueue_dma source(%arg8 : memref<8192xf32, #tpu.memory_space<vmem>>) target(%dma_start3A_283 : memref<8192xf32, #tpu.memory_space<hbm>>) target_semaphore(%arg13 : memref<!tpu.dma_semaphore, #tpu.memory_space<semaphore_mem>>)
    %dma_wait3A_284 = arith.constant 2 : i32
    %dma_wait3A_285 = arith.constant 0 : i32
    %dma_wait3A_286 = tpu.memref_slice %arg4[%add3A_4, %dma_wait3A_284, %dma_wait3A_285] : memref<64x16x8192xf32, #tpu.memory_space<hbm>> -> memref<1x1x8192xf32, #tpu.memory_space<hbm>>
    %dma_wait3A_287 = tpu.memref_squeeze %dma_wait3A_286 : memref<1x1x8192xf32, #tpu.memory_space<hbm>> -> memref<8192xf32, #tpu.memory_space<hbm>>
    %dma_wait3A_288 = arith.constant 0 : i32
    %dma_wait3A_289 = tpu.memref_slice %arg4[%add3A_4, %dma_wait3A_284, %dma_wait3A_288] : memref<64x16x8192xf32, #tpu.memory_space<hbm>> -> memref<1x1x8192xf32, #tpu.memory_space<hbm>>
    %dma_wait3A_290 = tpu.memref_squeeze %dma_wait3A_289 : memref<1x1x8192xf32, #tpu.memory_space<hbm>> -> memref<8192xf32, #tpu.memory_space<hbm>>
    tpu.wait_dma2 semaphore(%arg10 : memref<!tpu.dma_semaphore, #tpu.memory_space<semaphore_mem>>) src(%arg5 : memref<8192xf32, #tpu.memory_space<vmem>>) dst(%dma_wait3A_290 : memref<8192xf32, #tpu.memory_space<hbm>>)
    tpu.vector_store_idx %arg5[%get3A_200], %gather3A_201 : memref<8192xf32, #tpu.memory_space<vmem>>[vector<16xi32>], vector<16xf32>,
    %get3A_291 = arith.constant 0 : i32
    %get3A_292 = arith.constant 4 : i32
    %get3A_293 = arith.index_cast %get3A_291 : i32 to index
    %get3A_294 = arith.index_cast %get3A_292 : i32 to index
    %get3A_295 = arith.constant 0 : index
    %get3A_296 = tpu.vector_load %arg9[%get3A_293, %get3A_294, %get3A_295] {strides = array<i32>} : memref<2x16x16xi32, #tpu.memory_space<vmem>>, vector<16xi32>,
    %gather3A_297 = tpu.vector_load_idx %arg5[%get3A_296] : memref<8192xf32, #tpu.memory_space<vmem>>[vector<16xi32>], vector<16xf32>,
    %sub3A_298 = arith.constant 1.000000e+00 : f32
    %sub3A_299 = vector.broadcast %sub3A_298 : f32 to vector<16xf32>
    %sub3A_300 = arith.subf %sub3A_299, %gather3A_297 : vector<16xf32>
    tpu.vector_store_idx %arg5[%get3A_296], %sub3A_300 : memref<8192xf32, #tpu.memory_space<vmem>>[vector<16xi32>], vector<16xf32>,
    %dma_start3A_301 = arith.constant 4 : i32
    %dma_start3A_302 = arith.constant 0 : i32
    %dma_start3A_303 = tpu.memref_slice %arg4[%add3A_4, %dma_start3A_301, %dma_start3A_302] : memref<64x16x8192xf32, #tpu.memory_space<hbm>> -> memref<1x1x8192xf32, #tpu.memory_space<hbm>>
    %dma_start3A_304 = tpu.memref_squeeze %dma_start3A_303 : memref<1x1x8192xf32, #tpu.memory_space<hbm>> -> memref<8192xf32, #tpu.memory_space<hbm>>
    %dma_start3A_305 = arith.constant 0 : i32
    %dma_start3A_306 = tpu.memref_slice %arg4[%add3A_4, %dma_start3A_301, %dma_start3A_305] : memref<64x16x8192xf32, #tpu.memory_space<hbm>> -> memref<1x1x8192xf32, #tpu.memory_space<hbm>>
    %dma_start3A_307 = tpu.memref_squeeze %dma_start3A_306 : memref<1x1x8192xf32, #tpu.memory_space<hbm>> -> memref<8192xf32, #tpu.memory_space<hbm>>
    tpu.enqueue_dma source(%arg5 : memref<8192xf32, #tpu.memory_space<vmem>>) target(%dma_start3A_307 : memref<8192xf32, #tpu.memory_space<hbm>>) target_semaphore(%arg10 : memref<!tpu.dma_semaphore, #tpu.memory_space<semaphore_mem>>)
    %dma_wait3A_308 = arith.constant 2 : i32
    %dma_wait3A_309 = arith.constant 0 : i32
    %dma_wait3A_310 = tpu.memref_slice %arg4[%add3A_8, %dma_wait3A_308, %dma_wait3A_309] : memref<64x16x8192xf32, #tpu.memory_space<hbm>> -> memref<1x1x8192xf32, #tpu.memory_space<hbm>>
    %dma_wait3A_311 = tpu.memref_squeeze %dma_wait3A_310 : memref<1x1x8192xf32, #tpu.memory_space<hbm>> -> memref<8192xf32, #tpu.memory_space<hbm>>
    %dma_wait3A_312 = arith.constant 0 : i32
    %dma_wait3A_313 = tpu.memref_slice %arg4[%add3A_8, %dma_wait3A_308, %dma_wait3A_312] : memref<64x16x8192xf32, #tpu.memory_space<hbm>> -> memref<1x1x8192xf32, #tpu.memory_space<hbm>>
    %dma_wait3A_314 = tpu.memref_squeeze %dma_wait3A_313 : memref<1x1x8192xf32, #tpu.memory_space<hbm>> -> memref<8192xf32, #tpu.memory_space<hbm>>
    tpu.wait_dma2 semaphore(%arg11 : memref<!tpu.dma_semaphore, #tpu.memory_space<semaphore_mem>>) src(%arg6 : memref<8192xf32, #tpu.memory_space<vmem>>) dst(%dma_wait3A_314 : memref<8192xf32, #tpu.memory_space<hbm>>)
    tpu.vector_store_idx %arg6[%get3A_224], %gather3A_225 : memref<8192xf32, #tpu.memory_space<vmem>>[vector<16xi32>], vector<16xf32>,
    %get3A_315 = arith.constant 1 : i32
    %get3A_316 = arith.constant 4 : i32
    %get3A_317 = arith.index_cast %get3A_315 : i32 to index
    %get3A_318 = arith.index_cast %get3A_316 : i32 to index
    %get3A_319 = arith.constant 0 : index
    %get3A_320 = tpu.vector_load %arg9[%get3A_317, %get3A_318, %get3A_319] {strides = array<i32>} : memref<2x16x16xi32, #tpu.memory_space<vmem>>, vector<16xi32>,
    %gather3A_321 = tpu.vector_load_idx %arg6[%get3A_320] : memref<8192xf32, #tpu.memory_space<vmem>>[vector<16xi32>], vector<16xf32>,
    %sub3A_322 = arith.constant 1.000000e+00 : f32
    %sub3A_323 = vector.broadcast %sub3A_322 : f32 to vector<16xf32>
    %sub3A_324 = arith.subf %sub3A_323, %gather3A_321 : vector<16xf32>
    tpu.vector_store_idx %arg6[%get3A_320], %sub3A_324 : memref<8192xf32, #tpu.memory_space<vmem>>[vector<16xi32>], vector<16xf32>,
    %dma_start3A_325 = arith.constant 4 : i32
    %dma_start3A_326 = arith.constant 0 : i32
    %dma_start3A_327 = tpu.memref_slice %arg4[%add3A_8, %dma_start3A_325, %dma_start3A_326] : memref<64x16x8192xf32, #tpu.memory_space<hbm>> -> memref<1x1x8192xf32, #tpu.memory_space<hbm>>
    %dma_start3A_328 = tpu.memref_squeeze %dma_start3A_327 : memref<1x1x8192xf32, #tpu.memory_space<hbm>> -> memref<8192xf32, #tpu.memory_space<hbm>>
    %dma_start3A_329 = arith.constant 0 : i32
    %dma_start3A_330 = tpu.memref_slice %arg4[%add3A_8, %dma_start3A_325, %dma_start3A_329] : memref<64x16x8192xf32, #tpu.memory_space<hbm>> -> memref<1x1x8192xf32, #tpu.memory_space<hbm>>
    %dma_start3A_331 = tpu.memref_squeeze %dma_start3A_330 : memref<1x1x8192xf32, #tpu.memory_space<hbm>> -> memref<8192xf32, #tpu.memory_space<hbm>>
    tpu.enqueue_dma source(%arg6 : memref<8192xf32, #tpu.memory_space<vmem>>) target(%dma_start3A_331 : memref<8192xf32, #tpu.memory_space<hbm>>) target_semaphore(%arg11 : memref<!tpu.dma_semaphore, #tpu.memory_space<semaphore_mem>>)
    %dma_wait3A_332 = arith.constant 3 : i32
    %dma_wait3A_333 = arith.constant 0 : i32
    %dma_wait3A_334 = tpu.memref_slice %arg4[%add3A_4, %dma_wait3A_332, %dma_wait3A_333] : memref<64x16x8192xf32, #tpu.memory_space<hbm>> -> memref<1x1x8192xf32, #tpu.memory_space<hbm>>
    %dma_wait3A_335 = tpu.memref_squeeze %dma_wait3A_334 : memref<1x1x8192xf32, #tpu.memory_space<hbm>> -> memref<8192xf32, #tpu.memory_space<hbm>>
    %dma_wait3A_336 = arith.constant 0 : i32
    %dma_wait3A_337 = tpu.memref_slice %arg4[%add3A_4, %dma_wait3A_332, %dma_wait3A_336] : memref<64x16x8192xf32, #tpu.memory_space<hbm>> -> memref<1x1x8192xf32, #tpu.memory_space<hbm>>
    %dma_wait3A_338 = tpu.memref_squeeze %dma_wait3A_337 : memref<1x1x8192xf32, #tpu.memory_space<hbm>> -> memref<8192xf32, #tpu.memory_space<hbm>>
    tpu.wait_dma2 semaphore(%arg12 : memref<!tpu.dma_semaphore, #tpu.memory_space<semaphore_mem>>) src(%arg7 : memref<8192xf32, #tpu.memory_space<vmem>>) dst(%dma_wait3A_338 : memref<8192xf32, #tpu.memory_space<hbm>>)
    tpu.vector_store_idx %arg7[%get3A_248], %gather3A_249 : memref<8192xf32, #tpu.memory_space<vmem>>[vector<16xi32>], vector<16xf32>,
    %get3A_339 = arith.constant 0 : i32
    %get3A_340 = arith.constant 5 : i32
    %get3A_341 = arith.index_cast %get3A_339 : i32 to index
    %get3A_342 = arith.index_cast %get3A_340 : i32 to index
    %get3A_343 = arith.constant 0 : index
    %get3A_344 = tpu.vector_load %arg9[%get3A_341, %get3A_342, %get3A_343] {strides = array<i32>} : memref<2x16x16xi32, #tpu.memory_space<vmem>>, vector<16xi32>,
    %gather3A_345 = tpu.vector_load_idx %arg7[%get3A_344] : memref<8192xf32, #tpu.memory_space<vmem>>[vector<16xi32>], vector<16xf32>,
    %sub3A_346 = arith.constant 1.000000e+00 : f32
    %sub3A_347 = vector.broadcast %sub3A_346 : f32 to vector<16xf32>
    %sub3A_348 = arith.subf %sub3A_347, %gather3A_345 : vector<16xf32>
    tpu.vector_store_idx %arg7[%get3A_344], %sub3A_348 : memref<8192xf32, #tpu.memory_space<vmem>>[vector<16xi32>], vector<16xf32>,
    %dma_start3A_349 = arith.constant 5 : i32
    %dma_start3A_350 = arith.constant 0 : i32
    %dma_start3A_351 = tpu.memref_slice %arg4[%add3A_4, %dma_start3A_349, %dma_start3A_350] : memref<64x16x8192xf32, #tpu.memory_space<hbm>> -> memref<1x1x8192xf32, #tpu.memory_space<hbm>>
    %dma_start3A_352 = tpu.memref_squeeze %dma_start3A_351 : memref<1x1x8192xf32, #tpu.memory_space<hbm>> -> memref<8192xf32, #tpu.memory_space<hbm>>
    %dma_start3A_353 = arith.constant 0 : i32
    %dma_start3A_354 = tpu.memref_slice %arg4[%add3A_4, %dma_start3A_349, %dma_start3A_353] : memref<64x16x8192xf32, #tpu.memory_space<hbm>> -> memref<1x1x8192xf32, #tpu.memory_space<hbm>>
    %dma_start3A_355 = tpu.memref_squeeze %dma_start3A_354 : memref<1x1x8192xf32, #tpu.memory_space<hbm>> -> memref<8192xf32, #tpu.memory_space<hbm>>
    tpu.enqueue_dma source(%arg7 : memref<8192xf32, #tpu.memory_space<vmem>>) target(%dma_start3A_355 : memref<8192xf32, #tpu.memory_space<hbm>>) target_semaphore(%arg12 : memref<!tpu.dma_semaphore, #tpu.memory_space<semaphore_mem>>)
    %dma_wait3A_356 = arith.constant 3 : i32
    %dma_wait3A_357 = arith.constant 0 : i32
    %dma_wait3A_358 = tpu.memref_slice %arg4[%add3A_8, %dma_wait3A_356, %dma_wait3A_357] : memref<64x16x8192xf32, #tpu.memory_space<hbm>> -> memref<1x1x8192xf32, #tpu.memory_space<hbm>>
    %dma_wait3A_359 = tpu.memref_squeeze %dma_wait3A_358 : memref<1x1x8192xf32, #tpu.memory_space<hbm>> -> memref<8192xf32, #tpu.memory_space<hbm>>
    %dma_wait3A_360 = arith.constant 0 : i32
    %dma_wait3A_361 = tpu.memref_slice %arg4[%add3A_8, %dma_wait3A_356, %dma_wait3A_360] : memref<64x16x8192xf32, #tpu.memory_space<hbm>> -> memref<1x1x8192xf32, #tpu.memory_space<hbm>>
    %dma_wait3A_362 = tpu.memref_squeeze %dma_wait3A_361 : memref<1x1x8192xf32, #tpu.memory_space<hbm>> -> memref<8192xf32, #tpu.memory_space<hbm>>
    tpu.wait_dma2 semaphore(%arg13 : memref<!tpu.dma_semaphore, #tpu.memory_space<semaphore_mem>>) src(%arg8 : memref<8192xf32, #tpu.memory_space<vmem>>) dst(%dma_wait3A_362 : memref<8192xf32, #tpu.memory_space<hbm>>)
    tpu.vector_store_idx %arg8[%get3A_272], %gather3A_273 : memref<8192xf32, #tpu.memory_space<vmem>>[vector<16xi32>], vector<16xf32>,
    %get3A_363 = arith.constant 1 : i32
    %get3A_364 = arith.constant 5 : i32
    %get3A_365 = arith.index_cast %get3A_363 : i32 to index
    %get3A_366 = arith.index_cast %get3A_364 : i32 to index
    %get3A_367 = arith.constant 0 : index
    %get3A_368 = tpu.vector_load %arg9[%get3A_365, %get3A_366, %get3A_367] {strides = array<i32>} : memref<2x16x16xi32, #tpu.memory_space<vmem>>, vector<16xi32>,
    %gather3A_369 = tpu.vector_load_idx %arg8[%get3A_368] : memref<8192xf32, #tpu.memory_space<vmem>>[vector<16xi32>], vector<16xf32>,
    %sub3A_370 = arith.constant 1.000000e+00 : f32
    %sub3A_371 = vector.broadcast %sub3A_370 : f32 to vector<16xf32>
    %sub3A_372 = arith.subf %sub3A_371, %gather3A_369 : vector<16xf32>
    tpu.vector_store_idx %arg8[%get3A_368], %sub3A_372 : memref<8192xf32, #tpu.memory_space<vmem>>[vector<16xi32>], vector<16xf32>,
    %dma_start3A_373 = arith.constant 5 : i32
    %dma_start3A_374 = arith.constant 0 : i32
    %dma_start3A_375 = tpu.memref_slice %arg4[%add3A_8, %dma_start3A_373, %dma_start3A_374] : memref<64x16x8192xf32, #tpu.memory_space<hbm>> -> memref<1x1x8192xf32, #tpu.memory_space<hbm>>
    %dma_start3A_376 = tpu.memref_squeeze %dma_start3A_375 : memref<1x1x8192xf32, #tpu.memory_space<hbm>> -> memref<8192xf32, #tpu.memory_space<hbm>>
    %dma_start3A_377 = arith.constant 0 : i32
    %dma_start3A_378 = tpu.memref_slice %arg4[%add3A_8, %dma_start3A_373, %dma_start3A_377] : memref<64x16x8192xf32, #tpu.memory_space<hbm>> -> memref<1x1x8192xf32, #tpu.memory_space<hbm>>
    %dma_start3A_379 = tpu.memref_squeeze %dma_start3A_378 : memref<1x1x8192xf32, #tpu.memory_space<hbm>> -> memref<8192xf32, #tpu.memory_space<hbm>>
    tpu.enqueue_dma source(%arg8 : memref<8192xf32, #tpu.memory_space<vmem>>) target(%dma_start3A_379 : memref<8192xf32, #tpu.memory_space<hbm>>) target_semaphore(%arg13 : memref<!tpu.dma_semaphore, #tpu.memory_space<semaphore_mem>>)
    %dma_wait3A_380 = arith.constant 4 : i32
    %dma_wait3A_381 = arith.constant 0 : i32
    %dma_wait3A_382 = tpu.memref_slice %arg4[%add3A_4, %dma_wait3A_380, %dma_wait3A_381] : memref<64x16x8192xf32, #tpu.memory_space<hbm>> -> memref<1x1x8192xf32, #tpu.memory_space<hbm>>
    %dma_wait3A_383 = tpu.memref_squeeze %dma_wait3A_382 : memref<1x1x8192xf32, #tpu.memory_space<hbm>> -> memref<8192xf32, #tpu.memory_space<hbm>>
    %dma_wait3A_384 = arith.constant 0 : i32
    %dma_wait3A_385 = tpu.memref_slice %arg4[%add3A_4, %dma_wait3A_380, %dma_wait3A_384] : memref<64x16x8192xf32, #tpu.memory_space<hbm>> -> memref<1x1x8192xf32, #tpu.memory_space<hbm>>
    %dma_wait3A_386 = tpu.memref_squeeze %dma_wait3A_385 : memref<1x1x8192xf32, #tpu.memory_space<hbm>> -> memref<8192xf32, #tpu.memory_space<hbm>>
    tpu.wait_dma2 semaphore(%arg10 : memref<!tpu.dma_semaphore, #tpu.memory_space<semaphore_mem>>) src(%arg5 : memref<8192xf32, #tpu.memory_space<vmem>>) dst(%dma_wait3A_386 : memref<8192xf32, #tpu.memory_space<hbm>>)
    tpu.vector_store_idx %arg5[%get3A_296], %gather3A_297 : memref<8192xf32, #tpu.memory_space<vmem>>[vector<16xi32>], vector<16xf32>,
    %get3A_387 = arith.constant 0 : i32
    %get3A_388 = arith.constant 6 : i32
    %get3A_389 = arith.index_cast %get3A_387 : i32 to index
    %get3A_390 = arith.index_cast %get3A_388 : i32 to index
    %get3A_391 = arith.constant 0 : index
    %get3A_392 = tpu.vector_load %arg9[%get3A_389, %get3A_390, %get3A_391] {strides = array<i32>} : memref<2x16x16xi32, #tpu.memory_space<vmem>>, vector<16xi32>,
    %gather3A_393 = tpu.vector_load_idx %arg5[%get3A_392] : memref<8192xf32, #tpu.memory_space<vmem>>[vector<16xi32>], vector<16xf32>,
    %sub3A_394 = arith.constant 1.000000e+00 : f32
    %sub3A_395 = vector.broadcast %sub3A_394 : f32 to vector<16xf32>
    %sub3A_396 = arith.subf %sub3A_395, %gather3A_393 : vector<16xf32>
    tpu.vector_store_idx %arg5[%get3A_392], %sub3A_396 : memref<8192xf32, #tpu.memory_space<vmem>>[vector<16xi32>], vector<16xf32>,
    %dma_start3A_397 = arith.constant 6 : i32
    %dma_start3A_398 = arith.constant 0 : i32
    %dma_start3A_399 = tpu.memref_slice %arg4[%add3A_4, %dma_start3A_397, %dma_start3A_398] : memref<64x16x8192xf32, #tpu.memory_space<hbm>> -> memref<1x1x8192xf32, #tpu.memory_space<hbm>>
    %dma_start3A_400 = tpu.memref_squeeze %dma_start3A_399 : memref<1x1x8192xf32, #tpu.memory_space<hbm>> -> memref<8192xf32, #tpu.memory_space<hbm>>
    %dma_start3A_401 = arith.constant 0 : i32
    %dma_start3A_402 = tpu.memref_slice %arg4[%add3A_4, %dma_start3A_397, %dma_start3A_401] : memref<64x16x8192xf32, #tpu.memory_space<hbm>> -> memref<1x1x8192xf32, #tpu.memory_space<hbm>>
    %dma_start3A_403 = tpu.memref_squeeze %dma_start3A_402 : memref<1x1x8192xf32, #tpu.memory_space<hbm>> -> memref<8192xf32, #tpu.memory_space<hbm>>
    tpu.enqueue_dma source(%arg5 : memref<8192xf32, #tpu.memory_space<vmem>>) target(%dma_start3A_403 : memref<8192xf32, #tpu.memory_space<hbm>>) target_semaphore(%arg10 : memref<!tpu.dma_semaphore, #tpu.memory_space<semaphore_mem>>)
    %dma_wait3A_404 = arith.constant 4 : i32
    %dma_wait3A_405 = arith.constant 0 : i32
    %dma_wait3A_406 = tpu.memref_slice %arg4[%add3A_8, %dma_wait3A_404, %dma_wait3A_405] : memref<64x16x8192xf32, #tpu.memory_space<hbm>> -> memref<1x1x8192xf32, #tpu.memory_space<hbm>>
    %dma_wait3A_407 = tpu.memref_squeeze %dma_wait3A_406 : memref<1x1x8192xf32, #tpu.memory_space<hbm>> -> memref<8192xf32, #tpu.memory_space<hbm>>
    %dma_wait3A_408 = arith.constant 0 : i32
    %dma_wait3A_409 = tpu.memref_slice %arg4[%add3A_8, %dma_wait3A_404, %dma_wait3A_408] : memref<64x16x8192xf32, #tpu.memory_space<hbm>> -> memref<1x1x8192xf32, #tpu.memory_space<hbm>>
    %dma_wait3A_410 = tpu.memref_squeeze %dma_wait3A_409 : memref<1x1x8192xf32, #tpu.memory_space<hbm>> -> memref<8192xf32, #tpu.memory_space<hbm>>
    tpu.wait_dma2 semaphore(%arg11 : memref<!tpu.dma_semaphore, #tpu.memory_space<semaphore_mem>>) src(%arg6 : memref<8192xf32, #tpu.memory_space<vmem>>) dst(%dma_wait3A_410 : memref<8192xf32, #tpu.memory_space<hbm>>)
    tpu.vector_store_idx %arg6[%get3A_320], %gather3A_321 : memref<8192xf32, #tpu.memory_space<vmem>>[vector<16xi32>], vector<16xf32>,
    %get3A_411 = arith.constant 1 : i32
    %get3A_412 = arith.constant 6 : i32
    %get3A_413 = arith.index_cast %get3A_411 : i32 to index
    %get3A_414 = arith.index_cast %get3A_412 : i32 to index
    %get3A_415 = arith.constant 0 : index
    %get3A_416 = tpu.vector_load %arg9[%get3A_413, %get3A_414, %get3A_415] {strides = array<i32>} : memref<2x16x16xi32, #tpu.memory_space<vmem>>, vector<16xi32>,
    %gather3A_417 = tpu.vector_load_idx %arg6[%get3A_416] : memref<8192xf32, #tpu.memory_space<vmem>>[vector<16xi32>], vector<16xf32>,
    %sub3A_418 = arith.constant 1.000000e+00 : f32
    %sub3A_419 = vector.broadcast %sub3A_418 : f32 to vector<16xf32>
    %sub3A_420 = arith.subf %sub3A_419, %gather3A_417 : vector<16xf32>
    tpu.vector_store_idx %arg6[%get3A_416], %sub3A_420 : memref<8192xf32, #tpu.memory_space<vmem>>[vector<16xi32>], vector<16xf32>,
    %dma_start3A_421 = arith.constant 6 : i32
    %dma_start3A_422 = arith.constant 0 : i32
    %dma_start3A_423 = tpu.memref_slice %arg4[%add3A_8, %dma_start3A_421, %dma_start3A_422] : memref<64x16x8192xf32, #tpu.memory_space<hbm>> -> memref<1x1x8192xf32, #tpu.memory_space<hbm>>
    %dma_start3A_424 = tpu.memref_squeeze %dma_start3A_423 : memref<1x1x8192xf32, #tpu.memory_space<hbm>> -> memref<8192xf32, #tpu.memory_space<hbm>>
    %dma_start3A_425 = arith.constant 0 : i32
    %dma_start3A_426 = tpu.memref_slice %arg4[%add3A_8, %dma_start3A_421, %dma_start3A_425] : memref<64x16x8192xf32, #tpu.memory_space<hbm>> -> memref<1x1x8192xf32, #tpu.memory_space<hbm>>
    %dma_start3A_427 = tpu.memref_squeeze %dma_start3A_426 : memref<1x1x8192xf32, #tpu.memory_space<hbm>> -> memref<8192xf32, #tpu.memory_space<hbm>>
    tpu.enqueue_dma source(%arg6 : memref<8192xf32, #tpu.memory_space<vmem>>) target(%dma_start3A_427 : memref<8192xf32, #tpu.memory_space<hbm>>) target_semaphore(%arg11 : memref<!tpu.dma_semaphore, #tpu.memory_space<semaphore_mem>>)
    %dma_wait3A_428 = arith.constant 5 : i32
    %dma_wait3A_429 = arith.constant 0 : i32
    %dma_wait3A_430 = tpu.memref_slice %arg4[%add3A_4, %dma_wait3A_428, %dma_wait3A_429] : memref<64x16x8192xf32, #tpu.memory_space<hbm>> -> memref<1x1x8192xf32, #tpu.memory_space<hbm>>
    %dma_wait3A_431 = tpu.memref_squeeze %dma_wait3A_430 : memref<1x1x8192xf32, #tpu.memory_space<hbm>> -> memref<8192xf32, #tpu.memory_space<hbm>>
    %dma_wait3A_432 = arith.constant 0 : i32
    %dma_wait3A_433 = tpu.memref_slice %arg4[%add3A_4, %dma_wait3A_428, %dma_wait3A_432] : memref<64x16x8192xf32, #tpu.memory_space<hbm>> -> memref<1x1x8192xf32, #tpu.memory_space<hbm>>
    %dma_wait3A_434 = tpu.memref_squeeze %dma_wait3A_433 : memref<1x1x8192xf32, #tpu.memory_space<hbm>> -> memref<8192xf32, #tpu.memory_space<hbm>>
    tpu.wait_dma2 semaphore(%arg12 : memref<!tpu.dma_semaphore, #tpu.memory_space<semaphore_mem>>) src(%arg7 : memref<8192xf32, #tpu.memory_space<vmem>>) dst(%dma_wait3A_434 : memref<8192xf32, #tpu.memory_space<hbm>>)
    tpu.vector_store_idx %arg7[%get3A_344], %gather3A_345 : memref<8192xf32, #tpu.memory_space<vmem>>[vector<16xi32>], vector<16xf32>,
    %get3A_435 = arith.constant 0 : i32
    %get3A_436 = arith.constant 7 : i32
    %get3A_437 = arith.index_cast %get3A_435 : i32 to index
    %get3A_438 = arith.index_cast %get3A_436 : i32 to index
    %get3A_439 = arith.constant 0 : index
    %get3A_440 = tpu.vector_load %arg9[%get3A_437, %get3A_438, %get3A_439] {strides = array<i32>} : memref<2x16x16xi32, #tpu.memory_space<vmem>>, vector<16xi32>,
    %gather3A_441 = tpu.vector_load_idx %arg7[%get3A_440] : memref<8192xf32, #tpu.memory_space<vmem>>[vector<16xi32>], vector<16xf32>,
    %sub3A_442 = arith.constant 1.000000e+00 : f32
    %sub3A_443 = vector.broadcast %sub3A_442 : f32 to vector<16xf32>
    %sub3A_444 = arith.subf %sub3A_443, %gather3A_441 : vector<16xf32>
    tpu.vector_store_idx %arg7[%get3A_440], %sub3A_444 : memref<8192xf32, #tpu.memory_space<vmem>>[vector<16xi32>], vector<16xf32>,
    %dma_start3A_445 = arith.constant 7 : i32
    %dma_start3A_446 = arith.constant 0 : i32
    %dma_start3A_447 = tpu.memref_slice %arg4[%add3A_4, %dma_start3A_445, %dma_start3A_446] : memref<64x16x8192xf32, #tpu.memory_space<hbm>> -> memref<1x1x8192xf32, #tpu.memory_space<hbm>>
    %dma_start3A_448 = tpu.memref_squeeze %dma_start3A_447 : memref<1x1x8192xf32, #tpu.memory_space<hbm>> -> memref<8192xf32, #tpu.memory_space<hbm>>
    %dma_start3A_449 = arith.constant 0 : i32
    %dma_start3A_450 = tpu.memref_slice %arg4[%add3A_4, %dma_start3A_445, %dma_start3A_449] : memref<64x16x8192xf32, #tpu.memory_space<hbm>> -> memref<1x1x8192xf32, #tpu.memory_space<hbm>>
    %dma_start3A_451 = tpu.memref_squeeze %dma_start3A_450 : memref<1x1x8192xf32, #tpu.memory_space<hbm>> -> memref<8192xf32, #tpu.memory_space<hbm>>
    tpu.enqueue_dma source(%arg7 : memref<8192xf32, #tpu.memory_space<vmem>>) target(%dma_start3A_451 : memref<8192xf32, #tpu.memory_space<hbm>>) target_semaphore(%arg12 : memref<!tpu.dma_semaphore, #tpu.memory_space<semaphore_mem>>)
    %dma_wait3A_452 = arith.constant 5 : i32
    %dma_wait3A_453 = arith.constant 0 : i32
    %dma_wait3A_454 = tpu.memref_slice %arg4[%add3A_8, %dma_wait3A_452, %dma_wait3A_453] : memref<64x16x8192xf32, #tpu.memory_space<hbm>> -> memref<1x1x8192xf32, #tpu.memory_space<hbm>>
    %dma_wait3A_455 = tpu.memref_squeeze %dma_wait3A_454 : memref<1x1x8192xf32, #tpu.memory_space<hbm>> -> memref<8192xf32, #tpu.memory_space<hbm>>
    %dma_wait3A_456 = arith.constant 0 : i32
    %dma_wait3A_457 = tpu.memref_slice %arg4[%add3A_8, %dma_wait3A_452, %dma_wait3A_456] : memref<64x16x8192xf32, #tpu.memory_space<hbm>> -> memref<1x1x8192xf32, #tpu.memory_space<hbm>>
    %dma_wait3A_458 = tpu.memref_squeeze %dma_wait3A_457 : memref<1x1x8192xf32, #tpu.memory_space<hbm>> -> memref<8192xf32, #tpu.memory_space<hbm>>
    tpu.wait_dma2 semaphore(%arg13 : memref<!tpu.dma_semaphore, #tpu.memory_space<semaphore_mem>>) src(%arg8 : memref<8192xf32, #tpu.memory_space<vmem>>) dst(%dma_wait3A_458 : memref<8192xf32, #tpu.memory_space<hbm>>)
    tpu.vector_store_idx %arg8[%get3A_368], %gather3A_369 : memref<8192xf32, #tpu.memory_space<vmem>>[vector<16xi32>], vector<16xf32>,
    %get3A_459 = arith.constant 1 : i32
    %get3A_460 = arith.constant 7 : i32
    %get3A_461 = arith.index_cast %get3A_459 : i32 to index
    %get3A_462 = arith.index_cast %get3A_460 : i32 to index
    %get3A_463 = arith.constant 0 : index
    %get3A_464 = tpu.vector_load %arg9[%get3A_461, %get3A_462, %get3A_463] {strides = array<i32>} : memref<2x16x16xi32, #tpu.memory_space<vmem>>, vector<16xi32>,
    %gather3A_465 = tpu.vector_load_idx %arg8[%get3A_464] : memref<8192xf32, #tpu.memory_space<vmem>>[vector<16xi32>], vector<16xf32>,
    %sub3A_466 = arith.constant 1.000000e+00 : f32
    %sub3A_467 = vector.broadcast %sub3A_466 : f32 to vector<16xf32>
    %sub3A_468 = arith.subf %sub3A_467, %gather3A_465 : vector<16xf32>
    tpu.vector_store_idx %arg8[%get3A_464], %sub3A_468 : memref<8192xf32, #tpu.memory_space<vmem>>[vector<16xi32>], vector<16xf32>,
    %dma_start3A_469 = arith.constant 7 : i32
    %dma_start3A_470 = arith.constant 0 : i32
    %dma_start3A_471 = tpu.memref_slice %arg4[%add3A_8, %dma_start3A_469, %dma_start3A_470] : memref<64x16x8192xf32, #tpu.memory_space<hbm>> -> memref<1x1x8192xf32, #tpu.memory_space<hbm>>
    %dma_start3A_472 = tpu.memref_squeeze %dma_start3A_471 : memref<1x1x8192xf32, #tpu.memory_space<hbm>> -> memref<8192xf32, #tpu.memory_space<hbm>>
    %dma_start3A_473 = arith.constant 0 : i32
    %dma_start3A_474 = tpu.memref_slice %arg4[%add3A_8, %dma_start3A_469, %dma_start3A_473] : memref<64x16x8192xf32, #tpu.memory_space<hbm>> -> memref<1x1x8192xf32, #tpu.memory_space<hbm>>
    %dma_start3A_475 = tpu.memref_squeeze %dma_start3A_474 : memref<1x1x8192xf32, #tpu.memory_space<hbm>> -> memref<8192xf32, #tpu.memory_space<hbm>>
    tpu.enqueue_dma source(%arg8 : memref<8192xf32, #tpu.memory_space<vmem>>) target(%dma_start3A_475 : memref<8192xf32, #tpu.memory_space<hbm>>) target_semaphore(%arg13 : memref<!tpu.dma_semaphore, #tpu.memory_space<semaphore_mem>>)
    %dma_wait3A_476 = arith.constant 6 : i32
    %dma_wait3A_477 = arith.constant 0 : i32
    %dma_wait3A_478 = tpu.memref_slice %arg4[%add3A_4, %dma_wait3A_476, %dma_wait3A_477] : memref<64x16x8192xf32, #tpu.memory_space<hbm>> -> memref<1x1x8192xf32, #tpu.memory_space<hbm>>
    %dma_wait3A_479 = tpu.memref_squeeze %dma_wait3A_478 : memref<1x1x8192xf32, #tpu.memory_space<hbm>> -> memref<8192xf32, #tpu.memory_space<hbm>>
    %dma_wait3A_480 = arith.constant 0 : i32
    %dma_wait3A_481 = tpu.memref_slice %arg4[%add3A_4, %dma_wait3A_476, %dma_wait3A_480] : memref<64x16x8192xf32, #tpu.memory_space<hbm>> -> memref<1x1x8192xf32, #tpu.memory_space<hbm>>
    %dma_wait3A_482 = tpu.memref_squeeze %dma_wait3A_481 : memref<1x1x8192xf32, #tpu.memory_space<hbm>> -> memref<8192xf32, #tpu.memory_space<hbm>>
    tpu.wait_dma2 semaphore(%arg10 : memref<!tpu.dma_semaphore, #tpu.memory_space<semaphore_mem>>) src(%arg5 : memref<8192xf32, #tpu.memory_space<vmem>>) dst(%dma_wait3A_482 : memref<8192xf32, #tpu.memory_space<hbm>>)
    tpu.vector_store_idx %arg5[%get3A_392], %gather3A_393 : memref<8192xf32, #tpu.memory_space<vmem>>[vector<16xi32>], vector<16xf32>,
    %get3A_483 = arith.constant 0 : i32
    %get3A_484 = arith.constant 8 : i32
    %get3A_485 = arith.index_cast %get3A_483 : i32 to index
    %get3A_486 = arith.index_cast %get3A_484 : i32 to index
    %get3A_487 = arith.constant 0 : index
    %get3A_488 = tpu.vector_load %arg9[%get3A_485, %get3A_486, %get3A_487] {strides = array<i32>} : memref<2x16x16xi32, #tpu.memory_space<vmem>>, vector<16xi32>,
    %gather3A_489 = tpu.vector_load_idx %arg5[%get3A_488] : memref<8192xf32, #tpu.memory_space<vmem>>[vector<16xi32>], vector<16xf32>,
    %sub3A_490 = arith.constant 1.000000e+00 : f32
    %sub3A_491 = vector.broadcast %sub3A_490 : f32 to vector<16xf32>
    %sub3A_492 = arith.subf %sub3A_491, %gather3A_489 : vector<16xf32>
    tpu.vector_store_idx %arg5[%get3A_488], %sub3A_492 : memref<8192xf32, #tpu.memory_space<vmem>>[vector<16xi32>], vector<16xf32>,
    %dma_start3A_493 = arith.constant 8 : i32
    %dma_start3A_494 = arith.constant 0 : i32
    %dma_start3A_495 = tpu.memref_slice %arg4[%add3A_4, %dma_start3A_493, %dma_start3A_494] : memref<64x16x8192xf32, #tpu.memory_space<hbm>> -> memref<1x1x8192xf32, #tpu.memory_space<hbm>>
    %dma_start3A_496 = tpu.memref_squeeze %dma_start3A_495 : memref<1x1x8192xf32, #tpu.memory_space<hbm>> -> memref<8192xf32, #tpu.memory_space<hbm>>
    %dma_start3A_497 = arith.constant 0 : i32
    %dma_start3A_498 = tpu.memref_slice %arg4[%add3A_4, %dma_start3A_493, %dma_start3A_497] : memref<64x16x8192xf32, #tpu.memory_space<hbm>> -> memref<1x1x8192xf32, #tpu.memory_space<hbm>>
    %dma_start3A_499 = tpu.memref_squeeze %dma_start3A_498 : memref<1x1x8192xf32, #tpu.memory_space<hbm>> -> memref<8192xf32, #tpu.memory_space<hbm>>
    tpu.enqueue_dma source(%arg5 : memref<8192xf32, #tpu.memory_space<vmem>>) target(%dma_start3A_499 : memref<8192xf32, #tpu.memory_space<hbm>>) target_semaphore(%arg10 : memref<!tpu.dma_semaphore, #tpu.memory_space<semaphore_mem>>)
    %dma_wait3A_500 = arith.constant 6 : i32
    %dma_wait3A_501 = arith.constant 0 : i32
    %dma_wait3A_502 = tpu.memref_slice %arg4[%add3A_8, %dma_wait3A_500, %dma_wait3A_501] : memref<64x16x8192xf32, #tpu.memory_space<hbm>> -> memref<1x1x8192xf32, #tpu.memory_space<hbm>>
    %dma_wait3A_503 = tpu.memref_squeeze %dma_wait3A_502 : memref<1x1x8192xf32, #tpu.memory_space<hbm>> -> memref<8192xf32, #tpu.memory_space<hbm>>
    %dma_wait3A_504 = arith.constant 0 : i32
    %dma_wait3A_505 = tpu.memref_slice %arg4[%add3A_8, %dma_wait3A_500, %dma_wait3A_504] : memref<64x16x8192xf32, #tpu.memory_space<hbm>> -> memref<1x1x8192xf32, #tpu.memory_space<hbm>>
    %dma_wait3A_506 = tpu.memref_squeeze %dma_wait3A_505 : memref<1x1x8192xf32, #tpu.memory_space<hbm>> -> memref<8192xf32, #tpu.memory_space<hbm>>
    tpu.wait_dma2 semaphore(%arg11 : memref<!tpu.dma_semaphore, #tpu.memory_space<semaphore_mem>>) src(%arg6 : memref<8192xf32, #tpu.memory_space<vmem>>) dst(%dma_wait3A_506 : memref<8192xf32, #tpu.memory_space<hbm>>)
    tpu.vector_store_idx %arg6[%get3A_416], %gather3A_417 : memref<8192xf32, #tpu.memory_space<vmem>>[vector<16xi32>], vector<16xf32>,
    %get3A_507 = arith.constant 1 : i32
    %get3A_508 = arith.constant 8 : i32
    %get3A_509 = arith.index_cast %get3A_507 : i32 to index
    %get3A_510 = arith.index_cast %get3A_508 : i32 to index
    %get3A_511 = arith.constant 0 : index
    %get3A_512 = tpu.vector_load %arg9[%get3A_509, %get3A_510, %get3A_511] {strides = array<i32>} : memref<2x16x16xi32, #tpu.memory_space<vmem>>, vector<16xi32>,
    %gather3A_513 = tpu.vector_load_idx %arg6[%get3A_512] : memref<8192xf32, #tpu.memory_space<vmem>>[vector<16xi32>], vector<16xf32>,
    %sub3A_514 = arith.constant 1.000000e+00 : f32
    %sub3A_515 = vector.broadcast %sub3A_514 : f32 to vector<16xf32>
    %sub3A_516 = arith.subf %sub3A_515, %gather3A_513 : vector<16xf32>
    tpu.vector_store_idx %arg6[%get3A_512], %sub3A_516 : memref<8192xf32, #tpu.memory_space<vmem>>[vector<16xi32>], vector<16xf32>,
    %dma_start3A_517 = arith.constant 8 : i32
    %dma_start3A_518 = arith.constant 0 : i32
    %dma_start3A_519 = tpu.memref_slice %arg4[%add3A_8, %dma_start3A_517, %dma_start3A_518] : memref<64x16x8192xf32, #tpu.memory_space<hbm>> -> memref<1x1x8192xf32, #tpu.memory_space<hbm>>
    %dma_start3A_520 = tpu.memref_squeeze %dma_start3A_519 : memref<1x1x8192xf32, #tpu.memory_space<hbm>> -> memref<8192xf32, #tpu.memory_space<hbm>>
    %dma_start3A_521 = arith.constant 0 : i32
    %dma_start3A_522 = tpu.memref_slice %arg4[%add3A_8, %dma_start3A_517, %dma_start3A_521] : memref<64x16x8192xf32, #tpu.memory_space<hbm>> -> memref<1x1x8192xf32, #tpu.memory_space<hbm>>
    %dma_start3A_523 = tpu.memref_squeeze %dma_start3A_522 : memref<1x1x8192xf32, #tpu.memory_space<hbm>> -> memref<8192xf32, #tpu.memory_space<hbm>>
    tpu.enqueue_dma source(%arg6 : memref<8192xf32, #tpu.memory_space<vmem>>) target(%dma_start3A_523 : memref<8192xf32, #tpu.memory_space<hbm>>) target_semaphore(%arg11 : memref<!tpu.dma_semaphore, #tpu.memory_space<semaphore_mem>>)
    %dma_wait3A_524 = arith.constant 7 : i32
    %dma_wait3A_525 = arith.constant 0 : i32
    %dma_wait3A_526 = tpu.memref_slice %arg4[%add3A_4, %dma_wait3A_524, %dma_wait3A_525] : memref<64x16x8192xf32, #tpu.memory_space<hbm>> -> memref<1x1x8192xf32, #tpu.memory_space<hbm>>
    %dma_wait3A_527 = tpu.memref_squeeze %dma_wait3A_526 : memref<1x1x8192xf32, #tpu.memory_space<hbm>> -> memref<8192xf32, #tpu.memory_space<hbm>>
    %dma_wait3A_528 = arith.constant 0 : i32
    %dma_wait3A_529 = tpu.memref_slice %arg4[%add3A_4, %dma_wait3A_524, %dma_wait3A_528] : memref<64x16x8192xf32, #tpu.memory_space<hbm>> -> memref<1x1x8192xf32, #tpu.memory_space<hbm>>
    %dma_wait3A_530 = tpu.memref_squeeze %dma_wait3A_529 : memref<1x1x8192xf32, #tpu.memory_space<hbm>> -> memref<8192xf32, #tpu.memory_space<hbm>>
    tpu.wait_dma2 semaphore(%arg12 : memref<!tpu.dma_semaphore, #tpu.memory_space<semaphore_mem>>) src(%arg7 : memref<8192xf32, #tpu.memory_space<vmem>>) dst(%dma_wait3A_530 : memref<8192xf32, #tpu.memory_space<hbm>>)
    tpu.vector_store_idx %arg7[%get3A_440], %gather3A_441 : memref<8192xf32, #tpu.memory_space<vmem>>[vector<16xi32>], vector<16xf32>,
    %get3A_531 = arith.constant 0 : i32
    %get3A_532 = arith.constant 9 : i32
    %get3A_533 = arith.index_cast %get3A_531 : i32 to index
    %get3A_534 = arith.index_cast %get3A_532 : i32 to index
    %get3A_535 = arith.constant 0 : index
    %get3A_536 = tpu.vector_load %arg9[%get3A_533, %get3A_534, %get3A_535] {strides = array<i32>} : memref<2x16x16xi32, #tpu.memory_space<vmem>>, vector<16xi32>,
    %gather3A_537 = tpu.vector_load_idx %arg7[%get3A_536] : memref<8192xf32, #tpu.memory_space<vmem>>[vector<16xi32>], vector<16xf32>,
    %sub3A_538 = arith.constant 1.000000e+00 : f32
    %sub3A_539 = vector.broadcast %sub3A_538 : f32 to vector<16xf32>
    %sub3A_540 = arith.subf %sub3A_539, %gather3A_537 : vector<16xf32>
    tpu.vector_store_idx %arg7[%get3A_536], %sub3A_540 : memref<8192xf32, #tpu.memory_space<vmem>>[vector<16xi32>], vector<16xf32>,
    %dma_start3A_541 = arith.constant 9 : i32
    %dma_start3A_542 = arith.constant 0 : i32
    %dma_start3A_543 = tpu.memref_slice %arg4[%add3A_4, %dma_start3A_541, %dma_start3A_542] : memref<64x16x8192xf32, #tpu.memory_space<hbm>> -> memref<1x1x8192xf32, #tpu.memory_space<hbm>>
    %dma_start3A_544 = tpu.memref_squeeze %dma_start3A_543 : memref<1x1x8192xf32, #tpu.memory_space<hbm>> -> memref<8192xf32, #tpu.memory_space<hbm>>
    %dma_start3A_545 = arith.constant 0 : i32
    %dma_start3A_546 = tpu.memref_slice %arg4[%add3A_4, %dma_start3A_541, %dma_start3A_545] : memref<64x16x8192xf32, #tpu.memory_space<hbm>> -> memref<1x1x8192xf32, #tpu.memory_space<hbm>>
    %dma_start3A_547 = tpu.memref_squeeze %dma_start3A_546 : memref<1x1x8192xf32, #tpu.memory_space<hbm>> -> memref<8192xf32, #tpu.memory_space<hbm>>
    tpu.enqueue_dma source(%arg7 : memref<8192xf32, #tpu.memory_space<vmem>>) target(%dma_start3A_547 : memref<8192xf32, #tpu.memory_space<hbm>>) target_semaphore(%arg12 : memref<!tpu.dma_semaphore, #tpu.memory_space<semaphore_mem>>)
    %dma_wait3A_548 = arith.constant 7 : i32
    %dma_wait3A_549 = arith.constant 0 : i32
    %dma_wait3A_550 = tpu.memref_slice %arg4[%add3A_8, %dma_wait3A_548, %dma_wait3A_549] : memref<64x16x8192xf32, #tpu.memory_space<hbm>> -> memref<1x1x8192xf32, #tpu.memory_space<hbm>>
    %dma_wait3A_551 = tpu.memref_squeeze %dma_wait3A_550 : memref<1x1x8192xf32, #tpu.memory_space<hbm>> -> memref<8192xf32, #tpu.memory_space<hbm>>
    %dma_wait3A_552 = arith.constant 0 : i32
    %dma_wait3A_553 = tpu.memref_slice %arg4[%add3A_8, %dma_wait3A_548, %dma_wait3A_552] : memref<64x16x8192xf32, #tpu.memory_space<hbm>> -> memref<1x1x8192xf32, #tpu.memory_space<hbm>>
    %dma_wait3A_554 = tpu.memref_squeeze %dma_wait3A_553 : memref<1x1x8192xf32, #tpu.memory_space<hbm>> -> memref<8192xf32, #tpu.memory_space<hbm>>
    tpu.wait_dma2 semaphore(%arg13 : memref<!tpu.dma_semaphore, #tpu.memory_space<semaphore_mem>>) src(%arg8 : memref<8192xf32, #tpu.memory_space<vmem>>) dst(%dma_wait3A_554 : memref<8192xf32, #tpu.memory_space<hbm>>)
    tpu.vector_store_idx %arg8[%get3A_464], %gather3A_465 : memref<8192xf32, #tpu.memory_space<vmem>>[vector<16xi32>], vector<16xf32>,
    %get3A_555 = arith.constant 1 : i32
    %get3A_556 = arith.constant 9 : i32
    %get3A_557 = arith.index_cast %get3A_555 : i32 to index
    %get3A_558 = arith.index_cast %get3A_556 : i32 to index
    %get3A_559 = arith.constant 0 : index
    %get3A_560 = tpu.vector_load %arg9[%get3A_557, %get3A_558, %get3A_559] {strides = array<i32>} : memref<2x16x16xi32, #tpu.memory_space<vmem>>, vector<16xi32>,
    %gather3A_561 = tpu.vector_load_idx %arg8[%get3A_560] : memref<8192xf32, #tpu.memory_space<vmem>>[vector<16xi32>], vector<16xf32>,
    %sub3A_562 = arith.constant 1.000000e+00 : f32
    %sub3A_563 = vector.broadcast %sub3A_562 : f32 to vector<16xf32>
    %sub3A_564 = arith.subf %sub3A_563, %gather3A_561 : vector<16xf32>
    tpu.vector_store_idx %arg8[%get3A_560], %sub3A_564 : memref<8192xf32, #tpu.memory_space<vmem>>[vector<16xi32>], vector<16xf32>,
    %dma_start3A_565 = arith.constant 9 : i32
    %dma_start3A_566 = arith.constant 0 : i32
    %dma_start3A_567 = tpu.memref_slice %arg4[%add3A_8, %dma_start3A_565, %dma_start3A_566] : memref<64x16x8192xf32, #tpu.memory_space<hbm>> -> memref<1x1x8192xf32, #tpu.memory_space<hbm>>
    %dma_start3A_568 = tpu.memref_squeeze %dma_start3A_567 : memref<1x1x8192xf32, #tpu.memory_space<hbm>> -> memref<8192xf32, #tpu.memory_space<hbm>>
    %dma_start3A_569 = arith.constant 0 : i32
    %dma_start3A_570 = tpu.memref_slice %arg4[%add3A_8, %dma_start3A_565, %dma_start3A_569] : memref<64x16x8192xf32, #tpu.memory_space<hbm>> -> memref<1x1x8192xf32, #tpu.memory_space<hbm>>
    %dma_start3A_571 = tpu.memref_squeeze %dma_start3A_570 : memref<1x1x8192xf32, #tpu.memory_space<hbm>> -> memref<8192xf32, #tpu.memory_space<hbm>>
    tpu.enqueue_dma source(%arg8 : memref<8192xf32, #tpu.memory_space<vmem>>) target(%dma_start3A_571 : memref<8192xf32, #tpu.memory_space<hbm>>) target_semaphore(%arg13 : memref<!tpu.dma_semaphore, #tpu.memory_space<semaphore_mem>>)
    %dma_wait3A_572 = arith.constant 8 : i32
    %dma_wait3A_573 = arith.constant 0 : i32
    %dma_wait3A_574 = tpu.memref_slice %arg4[%add3A_4, %dma_wait3A_572, %dma_wait3A_573] : memref<64x16x8192xf32, #tpu.memory_space<hbm>> -> memref<1x1x8192xf32, #tpu.memory_space<hbm>>
    %dma_wait3A_575 = tpu.memref_squeeze %dma_wait3A_574 : memref<1x1x8192xf32, #tpu.memory_space<hbm>> -> memref<8192xf32, #tpu.memory_space<hbm>>
    %dma_wait3A_576 = arith.constant 0 : i32
    %dma_wait3A_577 = tpu.memref_slice %arg4[%add3A_4, %dma_wait3A_572, %dma_wait3A_576] : memref<64x16x8192xf32, #tpu.memory_space<hbm>> -> memref<1x1x8192xf32, #tpu.memory_space<hbm>>
    %dma_wait3A_578 = tpu.memref_squeeze %dma_wait3A_577 : memref<1x1x8192xf32, #tpu.memory_space<hbm>> -> memref<8192xf32, #tpu.memory_space<hbm>>
    tpu.wait_dma2 semaphore(%arg10 : memref<!tpu.dma_semaphore, #tpu.memory_space<semaphore_mem>>) src(%arg5 : memref<8192xf32, #tpu.memory_space<vmem>>) dst(%dma_wait3A_578 : memref<8192xf32, #tpu.memory_space<hbm>>)
    tpu.vector_store_idx %arg5[%get3A_488], %gather3A_489 : memref<8192xf32, #tpu.memory_space<vmem>>[vector<16xi32>], vector<16xf32>,
    %get3A_579 = arith.constant 0 : i32
    %get3A_580 = arith.constant 10 : i32
    %get3A_581 = arith.index_cast %get3A_579 : i32 to index
    %get3A_582 = arith.index_cast %get3A_580 : i32 to index
    %get3A_583 = arith.constant 0 : index
    %get3A_584 = tpu.vector_load %arg9[%get3A_581, %get3A_582, %get3A_583] {strides = array<i32>} : memref<2x16x16xi32, #tpu.memory_space<vmem>>, vector<16xi32>,
    %gather3A_585 = tpu.vector_load_idx %arg5[%get3A_584] : memref<8192xf32, #tpu.memory_space<vmem>>[vector<16xi32>], vector<16xf32>,
    %sub3A_586 = arith.constant 1.000000e+00 : f32
    %sub3A_587 = vector.broadcast %sub3A_586 : f32 to vector<16xf32>
    %sub3A_588 = arith.subf %sub3A_587, %gather3A_585 : vector<16xf32>
    tpu.vector_store_idx %arg5[%get3A_584], %sub3A_588 : memref<8192xf32, #tpu.memory_space<vmem>>[vector<16xi32>], vector<16xf32>,
    %dma_start3A_589 = arith.constant 10 : i32
    %dma_start3A_590 = arith.constant 0 : i32
    %dma_start3A_591 = tpu.memref_slice %arg4[%add3A_4, %dma_start3A_589, %dma_start3A_590] : memref<64x16x8192xf32, #tpu.memory_space<hbm>> -> memref<1x1x8192xf32, #tpu.memory_space<hbm>>
    %dma_start3A_592 = tpu.memref_squeeze %dma_start3A_591 : memref<1x1x8192xf32, #tpu.memory_space<hbm>> -> memref<8192xf32, #tpu.memory_space<hbm>>
    %dma_start3A_593 = arith.constant 0 : i32
    %dma_start3A_594 = tpu.memref_slice %arg4[%add3A_4, %dma_start3A_589, %dma_start3A_593] : memref<64x16x8192xf32, #tpu.memory_space<hbm>> -> memref<1x1x8192xf32, #tpu.memory_space<hbm>>
    %dma_start3A_595 = tpu.memref_squeeze %dma_start3A_594 : memref<1x1x8192xf32, #tpu.memory_space<hbm>> -> memref<8192xf32, #tpu.memory_space<hbm>>
    tpu.enqueue_dma source(%arg5 : memref<8192xf32, #tpu.memory_space<vmem>>) target(%dma_start3A_595 : memref<8192xf32, #tpu.memory_space<hbm>>) target_semaphore(%arg10 : memref<!tpu.dma_semaphore, #tpu.memory_space<semaphore_mem>>)
    %dma_wait3A_596 = arith.constant 8 : i32
    %dma_wait3A_597 = arith.constant 0 : i32
    %dma_wait3A_598 = tpu.memref_slice %arg4[%add3A_8, %dma_wait3A_596, %dma_wait3A_597] : memref<64x16x8192xf32, #tpu.memory_space<hbm>> -> memref<1x1x8192xf32, #tpu.memory_space<hbm>>
    %dma_wait3A_599 = tpu.memref_squeeze %dma_wait3A_598 : memref<1x1x8192xf32, #tpu.memory_space<hbm>> -> memref<8192xf32, #tpu.memory_space<hbm>>
    %dma_wait3A_600 = arith.constant 0 : i32
    %dma_wait3A_601 = tpu.memref_slice %arg4[%add3A_8, %dma_wait3A_596, %dma_wait3A_600] : memref<64x16x8192xf32, #tpu.memory_space<hbm>> -> memref<1x1x8192xf32, #tpu.memory_space<hbm>>
    %dma_wait3A_602 = tpu.memref_squeeze %dma_wait3A_601 : memref<1x1x8192xf32, #tpu.memory_space<hbm>> -> memref<8192xf32, #tpu.memory_space<hbm>>
    tpu.wait_dma2 semaphore(%arg11 : memref<!tpu.dma_semaphore, #tpu.memory_space<semaphore_mem>>) src(%arg6 : memref<8192xf32, #tpu.memory_space<vmem>>) dst(%dma_wait3A_602 : memref<8192xf32, #tpu.memory_space<hbm>>)
    tpu.vector_store_idx %arg6[%get3A_512], %gather3A_513 : memref<8192xf32, #tpu.memory_space<vmem>>[vector<16xi32>], vector<16xf32>,
    %get3A_603 = arith.constant 1 : i32
    %get3A_604 = arith.constant 10 : i32
    %get3A_605 = arith.index_cast %get3A_603 : i32 to index
    %get3A_606 = arith.index_cast %get3A_604 : i32 to index
    %get3A_607 = arith.constant 0 : index
    %get3A_608 = tpu.vector_load %arg9[%get3A_605, %get3A_606, %get3A_607] {strides = array<i32>} : memref<2x16x16xi32, #tpu.memory_space<vmem>>, vector<16xi32>,
    %gather3A_609 = tpu.vector_load_idx %arg6[%get3A_608] : memref<8192xf32, #tpu.memory_space<vmem>>[vector<16xi32>], vector<16xf32>,
    %sub3A_610 = arith.constant 1.000000e+00 : f32
    %sub3A_611 = vector.broadcast %sub3A_610 : f32 to vector<16xf32>
    %sub3A_612 = arith.subf %sub3A_611, %gather3A_609 : vector<16xf32>
    tpu.vector_store_idx %arg6[%get3A_608], %sub3A_612 : memref<8192xf32, #tpu.memory_space<vmem>>[vector<16xi32>], vector<16xf32>,
    %dma_start3A_613 = arith.constant 10 : i32
    %dma_start3A_614 = arith.constant 0 : i32
    %dma_start3A_615 = tpu.memref_slice %arg4[%add3A_8, %dma_start3A_613, %dma_start3A_614] : memref<64x16x8192xf32, #tpu.memory_space<hbm>> -> memref<1x1x8192xf32, #tpu.memory_space<hbm>>
    %dma_start3A_616 = tpu.memref_squeeze %dma_start3A_615 : memref<1x1x8192xf32, #tpu.memory_space<hbm>> -> memref<8192xf32, #tpu.memory_space<hbm>>
    %dma_start3A_617 = arith.constant 0 : i32
    %dma_start3A_618 = tpu.memref_slice %arg4[%add3A_8, %dma_start3A_613, %dma_start3A_617] : memref<64x16x8192xf32, #tpu.memory_space<hbm>> -> memref<1x1x8192xf32, #tpu.memory_space<hbm>>
    %dma_start3A_619 = tpu.memref_squeeze %dma_start3A_618 : memref<1x1x8192xf32, #tpu.memory_space<hbm>> -> memref<8192xf32, #tpu.memory_space<hbm>>
    tpu.enqueue_dma source(%arg6 : memref<8192xf32, #tpu.memory_space<vmem>>) target(%dma_start3A_619 : memref<8192xf32, #tpu.memory_space<hbm>>) target_semaphore(%arg11 : memref<!tpu.dma_semaphore, #tpu.memory_space<semaphore_mem>>)
    %dma_wait3A_620 = arith.constant 9 : i32
    %dma_wait3A_621 = arith.constant 0 : i32
    %dma_wait3A_622 = tpu.memref_slice %arg4[%add3A_4, %dma_wait3A_620, %dma_wait3A_621] : memref<64x16x8192xf32, #tpu.memory_space<hbm>> -> memref<1x1x8192xf32, #tpu.memory_space<hbm>>
    %dma_wait3A_623 = tpu.memref_squeeze %dma_wait3A_622 : memref<1x1x8192xf32, #tpu.memory_space<hbm>> -> memref<8192xf32, #tpu.memory_space<hbm>>
    %dma_wait3A_624 = arith.constant 0 : i32
    %dma_wait3A_625 = tpu.memref_slice %arg4[%add3A_4, %dma_wait3A_620, %dma_wait3A_624] : memref<64x16x8192xf32, #tpu.memory_space<hbm>> -> memref<1x1x8192xf32, #tpu.memory_space<hbm>>
    %dma_wait3A_626 = tpu.memref_squeeze %dma_wait3A_625 : memref<1x1x8192xf32, #tpu.memory_space<hbm>> -> memref<8192xf32, #tpu.memory_space<hbm>>
    tpu.wait_dma2 semaphore(%arg12 : memref<!tpu.dma_semaphore, #tpu.memory_space<semaphore_mem>>) src(%arg7 : memref<8192xf32, #tpu.memory_space<vmem>>) dst(%dma_wait3A_626 : memref<8192xf32, #tpu.memory_space<hbm>>)
    tpu.vector_store_idx %arg7[%get3A_536], %gather3A_537 : memref<8192xf32, #tpu.memory_space<vmem>>[vector<16xi32>], vector<16xf32>,
    %get3A_627 = arith.constant 0 : i32
    %get3A_628 = arith.constant 11 : i32
    %get3A_629 = arith.index_cast %get3A_627 : i32 to index
    %get3A_630 = arith.index_cast %get3A_628 : i32 to index
    %get3A_631 = arith.constant 0 : index
    %get3A_632 = tpu.vector_load %arg9[%get3A_629, %get3A_630, %get3A_631] {strides = array<i32>} : memref<2x16x16xi32, #tpu.memory_space<vmem>>, vector<16xi32>,
    %gather3A_633 = tpu.vector_load_idx %arg7[%get3A_632] : memref<8192xf32, #tpu.memory_space<vmem>>[vector<16xi32>], vector<16xf32>,
    %sub3A_634 = arith.constant 1.000000e+00 : f32
    %sub3A_635 = vector.broadcast %sub3A_634 : f32 to vector<16xf32>
    %sub3A_636 = arith.subf %sub3A_635, %gather3A_633 : vector<16xf32>
    tpu.vector_store_idx %arg7[%get3A_632], %sub3A_636 : memref<8192xf32, #tpu.memory_space<vmem>>[vector<16xi32>], vector<16xf32>,
    %dma_start3A_637 = arith.constant 11 : i32
    %dma_start3A_638 = arith.constant 0 : i32
    %dma_start3A_639 = tpu.memref_slice %arg4[%add3A_4, %dma_start3A_637, %dma_start3A_638] : memref<64x16x8192xf32, #tpu.memory_space<hbm>> -> memref<1x1x8192xf32, #tpu.memory_space<hbm>>
    %dma_start3A_640 = tpu.memref_squeeze %dma_start3A_639 : memref<1x1x8192xf32, #tpu.memory_space<hbm>> -> memref<8192xf32, #tpu.memory_space<hbm>>
    %dma_start3A_641 = arith.constant 0 : i32
    %dma_start3A_642 = tpu.memref_slice %arg4[%add3A_4, %dma_start3A_637, %dma_start3A_641] : memref<64x16x8192xf32, #tpu.memory_space<hbm>> -> memref<1x1x8192xf32, #tpu.memory_space<hbm>>
    %dma_start3A_643 = tpu.memref_squeeze %dma_start3A_642 : memref<1x1x8192xf32, #tpu.memory_space<hbm>> -> memref<8192xf32, #tpu.memory_space<hbm>>
    tpu.enqueue_dma source(%arg7 : memref<8192xf32, #tpu.memory_space<vmem>>) target(%dma_start3A_643 : memref<8192xf32, #tpu.memory_space<hbm>>) target_semaphore(%arg12 : memref<!tpu.dma_semaphore, #tpu.memory_space<semaphore_mem>>)
    %dma_wait3A_644 = arith.constant 9 : i32
    %dma_wait3A_645 = arith.constant 0 : i32
    %dma_wait3A_646 = tpu.memref_slice %arg4[%add3A_8, %dma_wait3A_644, %dma_wait3A_645] : memref<64x16x8192xf32, #tpu.memory_space<hbm>> -> memref<1x1x8192xf32, #tpu.memory_space<hbm>>
    %dma_wait3A_647 = tpu.memref_squeeze %dma_wait3A_646 : memref<1x1x8192xf32, #tpu.memory_space<hbm>> -> memref<8192xf32, #tpu.memory_space<hbm>>
    %dma_wait3A_648 = arith.constant 0 : i32
    %dma_wait3A_649 = tpu.memref_slice %arg4[%add3A_8, %dma_wait3A_644, %dma_wait3A_648] : memref<64x16x8192xf32, #tpu.memory_space<hbm>> -> memref<1x1x8192xf32, #tpu.memory_space<hbm>>
    %dma_wait3A_650 = tpu.memref_squeeze %dma_wait3A_649 : memref<1x1x8192xf32, #tpu.memory_space<hbm>> -> memref<8192xf32, #tpu.memory_space<hbm>>
    tpu.wait_dma2 semaphore(%arg13 : memref<!tpu.dma_semaphore, #tpu.memory_space<semaphore_mem>>) src(%arg8 : memref<8192xf32, #tpu.memory_space<vmem>>) dst(%dma_wait3A_650 : memref<8192xf32, #tpu.memory_space<hbm>>)
    tpu.vector_store_idx %arg8[%get3A_560], %gather3A_561 : memref<8192xf32, #tpu.memory_space<vmem>>[vector<16xi32>], vector<16xf32>,
    %get3A_651 = arith.constant 1 : i32
    %get3A_652 = arith.constant 11 : i32
    %get3A_653 = arith.index_cast %get3A_651 : i32 to index
    %get3A_654 = arith.index_cast %get3A_652 : i32 to index
    %get3A_655 = arith.constant 0 : index
    %get3A_656 = tpu.vector_load %arg9[%get3A_653, %get3A_654, %get3A_655] {strides = array<i32>} : memref<2x16x16xi32, #tpu.memory_space<vmem>>, vector<16xi32>,
    %gather3A_657 = tpu.vector_load_idx %arg8[%get3A_656] : memref<8192xf32, #tpu.memory_space<vmem>>[vector<16xi32>], vector<16xf32>,
    %sub3A_658 = arith.constant 1.000000e+00 : f32
    %sub3A_659 = vector.broadcast %sub3A_658 : f32 to vector<16xf32>
    %sub3A_660 = arith.subf %sub3A_659, %gather3A_657 : vector<16xf32>
    tpu.vector_store_idx %arg8[%get3A_656], %sub3A_660 : memref<8192xf32, #tpu.memory_space<vmem>>[vector<16xi32>], vector<16xf32>,
    %dma_start3A_661 = arith.constant 11 : i32
    %dma_start3A_662 = arith.constant 0 : i32
    %dma_start3A_663 = tpu.memref_slice %arg4[%add3A_8, %dma_start3A_661, %dma_start3A_662] : memref<64x16x8192xf32, #tpu.memory_space<hbm>> -> memref<1x1x8192xf32, #tpu.memory_space<hbm>>
    %dma_start3A_664 = tpu.memref_squeeze %dma_start3A_663 : memref<1x1x8192xf32, #tpu.memory_space<hbm>> -> memref<8192xf32, #tpu.memory_space<hbm>>
    %dma_start3A_665 = arith.constant 0 : i32
    %dma_start3A_666 = tpu.memref_slice %arg4[%add3A_8, %dma_start3A_661, %dma_start3A_665] : memref<64x16x8192xf32, #tpu.memory_space<hbm>> -> memref<1x1x8192xf32, #tpu.memory_space<hbm>>
    %dma_start3A_667 = tpu.memref_squeeze %dma_start3A_666 : memref<1x1x8192xf32, #tpu.memory_space<hbm>> -> memref<8192xf32, #tpu.memory_space<hbm>>
    tpu.enqueue_dma source(%arg8 : memref<8192xf32, #tpu.memory_space<vmem>>) target(%dma_start3A_667 : memref<8192xf32, #tpu.memory_space<hbm>>) target_semaphore(%arg13 : memref<!tpu.dma_semaphore, #tpu.memory_space<semaphore_mem>>)
    %dma_wait3A_668 = arith.constant 10 : i32
    %dma_wait3A_669 = arith.constant 0 : i32
    %dma_wait3A_670 = tpu.memref_slice %arg4[%add3A_4, %dma_wait3A_668, %dma_wait3A_669] : memref<64x16x8192xf32, #tpu.memory_space<hbm>> -> memref<1x1x8192xf32, #tpu.memory_space<hbm>>
    %dma_wait3A_671 = tpu.memref_squeeze %dma_wait3A_670 : memref<1x1x8192xf32, #tpu.memory_space<hbm>> -> memref<8192xf32, #tpu.memory_space<hbm>>
    %dma_wait3A_672 = arith.constant 0 : i32
    %dma_wait3A_673 = tpu.memref_slice %arg4[%add3A_4, %dma_wait3A_668, %dma_wait3A_672] : memref<64x16x8192xf32, #tpu.memory_space<hbm>> -> memref<1x1x8192xf32, #tpu.memory_space<hbm>>
    %dma_wait3A_674 = tpu.memref_squeeze %dma_wait3A_673 : memref<1x1x8192xf32, #tpu.memory_space<hbm>> -> memref<8192xf32, #tpu.memory_space<hbm>>
    tpu.wait_dma2 semaphore(%arg10 : memref<!tpu.dma_semaphore, #tpu.memory_space<semaphore_mem>>) src(%arg5 : memref<8192xf32, #tpu.memory_space<vmem>>) dst(%dma_wait3A_674 : memref<8192xf32, #tpu.memory_space<hbm>>)
    tpu.vector_store_idx %arg5[%get3A_584], %gather3A_585 : memref<8192xf32, #tpu.memory_space<vmem>>[vector<16xi32>], vector<16xf32>,
    %get3A_675 = arith.constant 0 : i32
    %get3A_676 = arith.constant 12 : i32
    %get3A_677 = arith.index_cast %get3A_675 : i32 to index
    %get3A_678 = arith.index_cast %get3A_676 : i32 to index
    %get3A_679 = arith.constant 0 : index
    %get3A_680 = tpu.vector_load %arg9[%get3A_677, %get3A_678, %get3A_679] {strides = array<i32>} : memref<2x16x16xi32, #tpu.memory_space<vmem>>, vector<16xi32>,
    %gather3A_681 = tpu.vector_load_idx %arg5[%get3A_680] : memref<8192xf32, #tpu.memory_space<vmem>>[vector<16xi32>], vector<16xf32>,
    %sub3A_682 = arith.constant 1.000000e+00 : f32
    %sub3A_683 = vector.broadcast %sub3A_682 : f32 to vector<16xf32>
    %sub3A_684 = arith.subf %sub3A_683, %gather3A_681 : vector<16xf32>
    tpu.vector_store_idx %arg5[%get3A_680], %sub3A_684 : memref<8192xf32, #tpu.memory_space<vmem>>[vector<16xi32>], vector<16xf32>,
    %dma_start3A_685 = arith.constant 12 : i32
    %dma_start3A_686 = arith.constant 0 : i32
    %dma_start3A_687 = tpu.memref_slice %arg4[%add3A_4, %dma_start3A_685, %dma_start3A_686] : memref<64x16x8192xf32, #tpu.memory_space<hbm>> -> memref<1x1x8192xf32, #tpu.memory_space<hbm>>
    %dma_start3A_688 = tpu.memref_squeeze %dma_start3A_687 : memref<1x1x8192xf32, #tpu.memory_space<hbm>> -> memref<8192xf32, #tpu.memory_space<hbm>>
    %dma_start3A_689 = arith.constant 0 : i32
    %dma_start3A_690 = tpu.memref_slice %arg4[%add3A_4, %dma_start3A_685, %dma_start3A_689] : memref<64x16x8192xf32, #tpu.memory_space<hbm>> -> memref<1x1x8192xf32, #tpu.memory_space<hbm>>
    %dma_start3A_691 = tpu.memref_squeeze %dma_start3A_690 : memref<1x1x8192xf32, #tpu.memory_space<hbm>> -> memref<8192xf32, #tpu.memory_space<hbm>>
    tpu.enqueue_dma source(%arg5 : memref<8192xf32, #tpu.memory_space<vmem>>) target(%dma_start3A_691 : memref<8192xf32, #tpu.memory_space<hbm>>) target_semaphore(%arg10 : memref<!tpu.dma_semaphore, #tpu.memory_space<semaphore_mem>>)
    %dma_wait3A_692 = arith.constant 10 : i32
    %dma_wait3A_693 = arith.constant 0 : i32
    %dma_wait3A_694 = tpu.memref_slice %arg4[%add3A_8, %dma_wait3A_692, %dma_wait3A_693] : memref<64x16x8192xf32, #tpu.memory_space<hbm>> -> memref<1x1x8192xf32, #tpu.memory_space<hbm>>
    %dma_wait3A_695 = tpu.memref_squeeze %dma_wait3A_694 : memref<1x1x8192xf32, #tpu.memory_space<hbm>> -> memref<8192xf32, #tpu.memory_space<hbm>>
    %dma_wait3A_696 = arith.constant 0 : i32
    %dma_wait3A_697 = tpu.memref_slice %arg4[%add3A_8, %dma_wait3A_692, %dma_wait3A_696] : memref<64x16x8192xf32, #tpu.memory_space<hbm>> -> memref<1x1x8192xf32, #tpu.memory_space<hbm>>
    %dma_wait3A_698 = tpu.memref_squeeze %dma_wait3A_697 : memref<1x1x8192xf32, #tpu.memory_space<hbm>> -> memref<8192xf32, #tpu.memory_space<hbm>>
    tpu.wait_dma2 semaphore(%arg11 : memref<!tpu.dma_semaphore, #tpu.memory_space<semaphore_mem>>) src(%arg6 : memref<8192xf32, #tpu.memory_space<vmem>>) dst(%dma_wait3A_698 : memref<8192xf32, #tpu.memory_space<hbm>>)
    tpu.vector_store_idx %arg6[%get3A_608], %gather3A_609 : memref<8192xf32, #tpu.memory_space<vmem>>[vector<16xi32>], vector<16xf32>,
    %get3A_699 = arith.constant 1 : i32
    %get3A_700 = arith.constant 12 : i32
    %get3A_701 = arith.index_cast %get3A_699 : i32 to index
    %get3A_702 = arith.index_cast %get3A_700 : i32 to index
    %get3A_703 = arith.constant 0 : index
    %get3A_704 = tpu.vector_load %arg9[%get3A_701, %get3A_702, %get3A_703] {strides = array<i32>} : memref<2x16x16xi32, #tpu.memory_space<vmem>>, vector<16xi32>,
    %gather3A_705 = tpu.vector_load_idx %arg6[%get3A_704] : memref<8192xf32, #tpu.memory_space<vmem>>[vector<16xi32>], vector<16xf32>,
    %sub3A_706 = arith.constant 1.000000e+00 : f32
    %sub3A_707 = vector.broadcast %sub3A_706 : f32 to vector<16xf32>
    %sub3A_708 = arith.subf %sub3A_707, %gather3A_705 : vector<16xf32>
    tpu.vector_store_idx %arg6[%get3A_704], %sub3A_708 : memref<8192xf32, #tpu.memory_space<vmem>>[vector<16xi32>], vector<16xf32>,
    %dma_start3A_709 = arith.constant 12 : i32
    %dma_start3A_710 = arith.constant 0 : i32
    %dma_start3A_711 = tpu.memref_slice %arg4[%add3A_8, %dma_start3A_709, %dma_start3A_710] : memref<64x16x8192xf32, #tpu.memory_space<hbm>> -> memref<1x1x8192xf32, #tpu.memory_space<hbm>>
    %dma_start3A_712 = tpu.memref_squeeze %dma_start3A_711 : memref<1x1x8192xf32, #tpu.memory_space<hbm>> -> memref<8192xf32, #tpu.memory_space<hbm>>
    %dma_start3A_713 = arith.constant 0 : i32
    %dma_start3A_714 = tpu.memref_slice %arg4[%add3A_8, %dma_start3A_709, %dma_start3A_713] : memref<64x16x8192xf32, #tpu.memory_space<hbm>> -> memref<1x1x8192xf32, #tpu.memory_space<hbm>>
    %dma_start3A_715 = tpu.memref_squeeze %dma_start3A_714 : memref<1x1x8192xf32, #tpu.memory_space<hbm>> -> memref<8192xf32, #tpu.memory_space<hbm>>
    tpu.enqueue_dma source(%arg6 : memref<8192xf32, #tpu.memory_space<vmem>>) target(%dma_start3A_715 : memref<8192xf32, #tpu.memory_space<hbm>>) target_semaphore(%arg11 : memref<!tpu.dma_semaphore, #tpu.memory_space<semaphore_mem>>)
    %dma_wait3A_716 = arith.constant 11 : i32
    %dma_wait3A_717 = arith.constant 0 : i32
    %dma_wait3A_718 = tpu.memref_slice %arg4[%add3A_4, %dma_wait3A_716, %dma_wait3A_717] : memref<64x16x8192xf32, #tpu.memory_space<hbm>> -> memref<1x1x8192xf32, #tpu.memory_space<hbm>>
    %dma_wait3A_719 = tpu.memref_squeeze %dma_wait3A_718 : memref<1x1x8192xf32, #tpu.memory_space<hbm>> -> memref<8192xf32, #tpu.memory_space<hbm>>
    %dma_wait3A_720 = arith.constant 0 : i32
    %dma_wait3A_721 = tpu.memref_slice %arg4[%add3A_4, %dma_wait3A_716, %dma_wait3A_720] : memref<64x16x8192xf32, #tpu.memory_space<hbm>> -> memref<1x1x8192xf32, #tpu.memory_space<hbm>>
    %dma_wait3A_722 = tpu.memref_squeeze %dma_wait3A_721 : memref<1x1x8192xf32, #tpu.memory_space<hbm>> -> memref<8192xf32, #tpu.memory_space<hbm>>
    tpu.wait_dma2 semaphore(%arg12 : memref<!tpu.dma_semaphore, #tpu.memory_space<semaphore_mem>>) src(%arg7 : memref<8192xf32, #tpu.memory_space<vmem>>) dst(%dma_wait3A_722 : memref<8192xf32, #tpu.memory_space<hbm>>)
    tpu.vector_store_idx %arg7[%get3A_632], %gather3A_633 : memref<8192xf32, #tpu.memory_space<vmem>>[vector<16xi32>], vector<16xf32>,
    %get3A_723 = arith.constant 0 : i32
    %get3A_724 = arith.constant 13 : i32
    %get3A_725 = arith.index_cast %get3A_723 : i32 to index
    %get3A_726 = arith.index_cast %get3A_724 : i32 to index
    %get3A_727 = arith.constant 0 : index
    %get3A_728 = tpu.vector_load %arg9[%get3A_725, %get3A_726, %get3A_727] {strides = array<i32>} : memref<2x16x16xi32, #tpu.memory_space<vmem>>, vector<16xi32>,
    %gather3A_729 = tpu.vector_load_idx %arg7[%get3A_728] : memref<8192xf32, #tpu.memory_space<vmem>>[vector<16xi32>], vector<16xf32>,
    %sub3A_730 = arith.constant 1.000000e+00 : f32
    %sub3A_731 = vector.broadcast %sub3A_730 : f32 to vector<16xf32>
    %sub3A_732 = arith.subf %sub3A_731, %gather3A_729 : vector<16xf32>
    tpu.vector_store_idx %arg7[%get3A_728], %sub3A_732 : memref<8192xf32, #tpu.memory_space<vmem>>[vector<16xi32>], vector<16xf32>,
    %dma_start3A_733 = arith.constant 13 : i32
    %dma_start3A_734 = arith.constant 0 : i32
    %dma_start3A_735 = tpu.memref_slice %arg4[%add3A_4, %dma_start3A_733, %dma_start3A_734] : memref<64x16x8192xf32, #tpu.memory_space<hbm>> -> memref<1x1x8192xf32, #tpu.memory_space<hbm>>
    %dma_start3A_736 = tpu.memref_squeeze %dma_start3A_735 : memref<1x1x8192xf32, #tpu.memory_space<hbm>> -> memref<8192xf32, #tpu.memory_space<hbm>>
    %dma_start3A_737 = arith.constant 0 : i32
    %dma_start3A_738 = tpu.memref_slice %arg4[%add3A_4, %dma_start3A_733, %dma_start3A_737] : memref<64x16x8192xf32, #tpu.memory_space<hbm>> -> memref<1x1x8192xf32, #tpu.memory_space<hbm>>
    %dma_start3A_739 = tpu.memref_squeeze %dma_start3A_738 : memref<1x1x8192xf32, #tpu.memory_space<hbm>> -> memref<8192xf32, #tpu.memory_space<hbm>>
    tpu.enqueue_dma source(%arg7 : memref<8192xf32, #tpu.memory_space<vmem>>) target(%dma_start3A_739 : memref<8192xf32, #tpu.memory_space<hbm>>) target_semaphore(%arg12 : memref<!tpu.dma_semaphore, #tpu.memory_space<semaphore_mem>>)
    %dma_wait3A_740 = arith.constant 11 : i32
    %dma_wait3A_741 = arith.constant 0 : i32
    %dma_wait3A_742 = tpu.memref_slice %arg4[%add3A_8, %dma_wait3A_740, %dma_wait3A_741] : memref<64x16x8192xf32, #tpu.memory_space<hbm>> -> memref<1x1x8192xf32, #tpu.memory_space<hbm>>
    %dma_wait3A_743 = tpu.memref_squeeze %dma_wait3A_742 : memref<1x1x8192xf32, #tpu.memory_space<hbm>> -> memref<8192xf32, #tpu.memory_space<hbm>>
    %dma_wait3A_744 = arith.constant 0 : i32
    %dma_wait3A_745 = tpu.memref_slice %arg4[%add3A_8, %dma_wait3A_740, %dma_wait3A_744] : memref<64x16x8192xf32, #tpu.memory_space<hbm>> -> memref<1x1x8192xf32, #tpu.memory_space<hbm>>
    %dma_wait3A_746 = tpu.memref_squeeze %dma_wait3A_745 : memref<1x1x8192xf32, #tpu.memory_space<hbm>> -> memref<8192xf32, #tpu.memory_space<hbm>>
    tpu.wait_dma2 semaphore(%arg13 : memref<!tpu.dma_semaphore, #tpu.memory_space<semaphore_mem>>) src(%arg8 : memref<8192xf32, #tpu.memory_space<vmem>>) dst(%dma_wait3A_746 : memref<8192xf32, #tpu.memory_space<hbm>>)
    tpu.vector_store_idx %arg8[%get3A_656], %gather3A_657 : memref<8192xf32, #tpu.memory_space<vmem>>[vector<16xi32>], vector<16xf32>,
    %get3A_747 = arith.constant 1 : i32
    %get3A_748 = arith.constant 13 : i32
    %get3A_749 = arith.index_cast %get3A_747 : i32 to index
    %get3A_750 = arith.index_cast %get3A_748 : i32 to index
    %get3A_751 = arith.constant 0 : index
    %get3A_752 = tpu.vector_load %arg9[%get3A_749, %get3A_750, %get3A_751] {strides = array<i32>} : memref<2x16x16xi32, #tpu.memory_space<vmem>>, vector<16xi32>,
    %gather3A_753 = tpu.vector_load_idx %arg8[%get3A_752] : memref<8192xf32, #tpu.memory_space<vmem>>[vector<16xi32>], vector<16xf32>,
    %sub3A_754 = arith.constant 1.000000e+00 : f32
    %sub3A_755 = vector.broadcast %sub3A_754 : f32 to vector<16xf32>
    %sub3A_756 = arith.subf %sub3A_755, %gather3A_753 : vector<16xf32>
    tpu.vector_store_idx %arg8[%get3A_752], %sub3A_756 : memref<8192xf32, #tpu.memory_space<vmem>>[vector<16xi32>], vector<16xf32>,
    %dma_start3A_757 = arith.constant 13 : i32
    %dma_start3A_758 = arith.constant 0 : i32
    %dma_start3A_759 = tpu.memref_slice %arg4[%add3A_8, %dma_start3A_757, %dma_start3A_758] : memref<64x16x8192xf32, #tpu.memory_space<hbm>> -> memref<1x1x8192xf32, #tpu.memory_space<hbm>>
    %dma_start3A_760 = tpu.memref_squeeze %dma_start3A_759 : memref<1x1x8192xf32, #tpu.memory_space<hbm>> -> memref<8192xf32, #tpu.memory_space<hbm>>
    %dma_start3A_761 = arith.constant 0 : i32
    %dma_start3A_762 = tpu.memref_slice %arg4[%add3A_8, %dma_start3A_757, %dma_start3A_761] : memref<64x16x8192xf32, #tpu.memory_space<hbm>> -> memref<1x1x8192xf32, #tpu.memory_space<hbm>>
    %dma_start3A_763 = tpu.memref_squeeze %dma_start3A_762 : memref<1x1x8192xf32, #tpu.memory_space<hbm>> -> memref<8192xf32, #tpu.memory_space<hbm>>
    tpu.enqueue_dma source(%arg8 : memref<8192xf32, #tpu.memory_space<vmem>>) target(%dma_start3A_763 : memref<8192xf32, #tpu.memory_space<hbm>>) target_semaphore(%arg13 : memref<!tpu.dma_semaphore, #tpu.memory_space<semaphore_mem>>)
    %dma_wait3A_764 = arith.constant 12 : i32
    %dma_wait3A_765 = arith.constant 0 : i32
    %dma_wait3A_766 = tpu.memref_slice %arg4[%add3A_4, %dma_wait3A_764, %dma_wait3A_765] : memref<64x16x8192xf32, #tpu.memory_space<hbm>> -> memref<1x1x8192xf32, #tpu.memory_space<hbm>>
    %dma_wait3A_767 = tpu.memref_squeeze %dma_wait3A_766 : memref<1x1x8192xf32, #tpu.memory_space<hbm>> -> memref<8192xf32, #tpu.memory_space<hbm>>
    %dma_wait3A_768 = arith.constant 0 : i32
    %dma_wait3A_769 = tpu.memref_slice %arg4[%add3A_4, %dma_wait3A_764, %dma_wait3A_768] : memref<64x16x8192xf32, #tpu.memory_space<hbm>> -> memref<1x1x8192xf32, #tpu.memory_space<hbm>>
    %dma_wait3A_770 = tpu.memref_squeeze %dma_wait3A_769 : memref<1x1x8192xf32, #tpu.memory_space<hbm>> -> memref<8192xf32, #tpu.memory_space<hbm>>
    tpu.wait_dma2 semaphore(%arg10 : memref<!tpu.dma_semaphore, #tpu.memory_space<semaphore_mem>>) src(%arg5 : memref<8192xf32, #tpu.memory_space<vmem>>) dst(%dma_wait3A_770 : memref<8192xf32, #tpu.memory_space<hbm>>)
    tpu.vector_store_idx %arg5[%get3A_680], %gather3A_681 : memref<8192xf32, #tpu.memory_space<vmem>>[vector<16xi32>], vector<16xf32>,
    %get3A_771 = arith.constant 0 : i32
    %get3A_772 = arith.constant 14 : i32
    %get3A_773 = arith.index_cast %get3A_771 : i32 to index
    %get3A_774 = arith.index_cast %get3A_772 : i32 to index
    %get3A_775 = arith.constant 0 : index
    %get3A_776 = tpu.vector_load %arg9[%get3A_773, %get3A_774, %get3A_775] {strides = array<i32>} : memref<2x16x16xi32, #tpu.memory_space<vmem>>, vector<16xi32>,
    %gather3A_777 = tpu.vector_load_idx %arg5[%get3A_776] : memref<8192xf32, #tpu.memory_space<vmem>>[vector<16xi32>], vector<16xf32>,
    %sub3A_778 = arith.constant 1.000000e+00 : f32
    %sub3A_779 = vector.broadcast %sub3A_778 : f32 to vector<16xf32>
    %sub3A_780 = arith.subf %sub3A_779, %gather3A_777 : vector<16xf32>
    tpu.vector_store_idx %arg5[%get3A_776], %sub3A_780 : memref<8192xf32, #tpu.memory_space<vmem>>[vector<16xi32>], vector<16xf32>,
    %dma_start3A_781 = arith.constant 14 : i32
    %dma_start3A_782 = arith.constant 0 : i32
    %dma_start3A_783 = tpu.memref_slice %arg4[%add3A_4, %dma_start3A_781, %dma_start3A_782] : memref<64x16x8192xf32, #tpu.memory_space<hbm>> -> memref<1x1x8192xf32, #tpu.memory_space<hbm>>
    %dma_start3A_784 = tpu.memref_squeeze %dma_start3A_783 : memref<1x1x8192xf32, #tpu.memory_space<hbm>> -> memref<8192xf32, #tpu.memory_space<hbm>>
    %dma_start3A_785 = arith.constant 0 : i32
    %dma_start3A_786 = tpu.memref_slice %arg4[%add3A_4, %dma_start3A_781, %dma_start3A_785] : memref<64x16x8192xf32, #tpu.memory_space<hbm>> -> memref<1x1x8192xf32, #tpu.memory_space<hbm>>
    %dma_start3A_787 = tpu.memref_squeeze %dma_start3A_786 : memref<1x1x8192xf32, #tpu.memory_space<hbm>> -> memref<8192xf32, #tpu.memory_space<hbm>>
    tpu.enqueue_dma source(%arg5 : memref<8192xf32, #tpu.memory_space<vmem>>) target(%dma_start3A_787 : memref<8192xf32, #tpu.memory_space<hbm>>) target_semaphore(%arg10 : memref<!tpu.dma_semaphore, #tpu.memory_space<semaphore_mem>>)
    %dma_wait3A_788 = arith.constant 12 : i32
    %dma_wait3A_789 = arith.constant 0 : i32
    %dma_wait3A_790 = tpu.memref_slice %arg4[%add3A_8, %dma_wait3A_788, %dma_wait3A_789] : memref<64x16x8192xf32, #tpu.memory_space<hbm>> -> memref<1x1x8192xf32, #tpu.memory_space<hbm>>
    %dma_wait3A_791 = tpu.memref_squeeze %dma_wait3A_790 : memref<1x1x8192xf32, #tpu.memory_space<hbm>> -> memref<8192xf32, #tpu.memory_space<hbm>>
    %dma_wait3A_792 = arith.constant 0 : i32
    %dma_wait3A_793 = tpu.memref_slice %arg4[%add3A_8, %dma_wait3A_788, %dma_wait3A_792] : memref<64x16x8192xf32, #tpu.memory_space<hbm>> -> memref<1x1x8192xf32, #tpu.memory_space<hbm>>
    %dma_wait3A_794 = tpu.memref_squeeze %dma_wait3A_793 : memref<1x1x8192xf32, #tpu.memory_space<hbm>> -> memref<8192xf32, #tpu.memory_space<hbm>>
    tpu.wait_dma2 semaphore(%arg11 : memref<!tpu.dma_semaphore, #tpu.memory_space<semaphore_mem>>) src(%arg6 : memref<8192xf32, #tpu.memory_space<vmem>>) dst(%dma_wait3A_794 : memref<8192xf32, #tpu.memory_space<hbm>>)
    tpu.vector_store_idx %arg6[%get3A_704], %gather3A_705 : memref<8192xf32, #tpu.memory_space<vmem>>[vector<16xi32>], vector<16xf32>,
    %get3A_795 = arith.constant 1 : i32
    %get3A_796 = arith.constant 14 : i32
    %get3A_797 = arith.index_cast %get3A_795 : i32 to index
    %get3A_798 = arith.index_cast %get3A_796 : i32 to index
    %get3A_799 = arith.constant 0 : index
    %get3A_800 = tpu.vector_load %arg9[%get3A_797, %get3A_798, %get3A_799] {strides = array<i32>} : memref<2x16x16xi32, #tpu.memory_space<vmem>>, vector<16xi32>,
    %gather3A_801 = tpu.vector_load_idx %arg6[%get3A_800] : memref<8192xf32, #tpu.memory_space<vmem>>[vector<16xi32>], vector<16xf32>,
    %sub3A_802 = arith.constant 1.000000e+00 : f32
    %sub3A_803 = vector.broadcast %sub3A_802 : f32 to vector<16xf32>
    %sub3A_804 = arith.subf %sub3A_803, %gather3A_801 : vector<16xf32>
    tpu.vector_store_idx %arg6[%get3A_800], %sub3A_804 : memref<8192xf32, #tpu.memory_space<vmem>>[vector<16xi32>], vector<16xf32>,
    %dma_start3A_805 = arith.constant 14 : i32
    %dma_start3A_806 = arith.constant 0 : i32
    %dma_start3A_807 = tpu.memref_slice %arg4[%add3A_8, %dma_start3A_805, %dma_start3A_806] : memref<64x16x8192xf32, #tpu.memory_space<hbm>> -> memref<1x1x8192xf32, #tpu.memory_space<hbm>>
    %dma_start3A_808 = tpu.memref_squeeze %dma_start3A_807 : memref<1x1x8192xf32, #tpu.memory_space<hbm>> -> memref<8192xf32, #tpu.memory_space<hbm>>
    %dma_start3A_809 = arith.constant 0 : i32
    %dma_start3A_810 = tpu.memref_slice %arg4[%add3A_8, %dma_start3A_805, %dma_start3A_809] : memref<64x16x8192xf32, #tpu.memory_space<hbm>> -> memref<1x1x8192xf32, #tpu.memory_space<hbm>>
    %dma_start3A_811 = tpu.memref_squeeze %dma_start3A_810 : memref<1x1x8192xf32, #tpu.memory_space<hbm>> -> memref<8192xf32, #tpu.memory_space<hbm>>
    tpu.enqueue_dma source(%arg6 : memref<8192xf32, #tpu.memory_space<vmem>>) target(%dma_start3A_811 : memref<8192xf32, #tpu.memory_space<hbm>>) target_semaphore(%arg11 : memref<!tpu.dma_semaphore, #tpu.memory_space<semaphore_mem>>)
    %dma_wait3A_812 = arith.constant 13 : i32
    %dma_wait3A_813 = arith.constant 0 : i32
    %dma_wait3A_814 = tpu.memref_slice %arg4[%add3A_4, %dma_wait3A_812, %dma_wait3A_813] : memref<64x16x8192xf32, #tpu.memory_space<hbm>> -> memref<1x1x8192xf32, #tpu.memory_space<hbm>>
    %dma_wait3A_815 = tpu.memref_squeeze %dma_wait3A_814 : memref<1x1x8192xf32, #tpu.memory_space<hbm>> -> memref<8192xf32, #tpu.memory_space<hbm>>
    %dma_wait3A_816 = arith.constant 0 : i32
    %dma_wait3A_817 = tpu.memref_slice %arg4[%add3A_4, %dma_wait3A_812, %dma_wait3A_816] : memref<64x16x8192xf32, #tpu.memory_space<hbm>> -> memref<1x1x8192xf32, #tpu.memory_space<hbm>>
    %dma_wait3A_818 = tpu.memref_squeeze %dma_wait3A_817 : memref<1x1x8192xf32, #tpu.memory_space<hbm>> -> memref<8192xf32, #tpu.memory_space<hbm>>
    tpu.wait_dma2 semaphore(%arg12 : memref<!tpu.dma_semaphore, #tpu.memory_space<semaphore_mem>>) src(%arg7 : memref<8192xf32, #tpu.memory_space<vmem>>) dst(%dma_wait3A_818 : memref<8192xf32, #tpu.memory_space<hbm>>)
    tpu.vector_store_idx %arg7[%get3A_728], %gather3A_729 : memref<8192xf32, #tpu.memory_space<vmem>>[vector<16xi32>], vector<16xf32>,
    %get3A_819 = arith.constant 0 : i32
    %get3A_820 = arith.constant 15 : i32
    %get3A_821 = arith.index_cast %get3A_819 : i32 to index
    %get3A_822 = arith.index_cast %get3A_820 : i32 to index
    %get3A_823 = arith.constant 0 : index
    %get3A_824 = tpu.vector_load %arg9[%get3A_821, %get3A_822, %get3A_823] {strides = array<i32>} : memref<2x16x16xi32, #tpu.memory_space<vmem>>, vector<16xi32>,
    %gather3A_825 = tpu.vector_load_idx %arg7[%get3A_824] : memref<8192xf32, #tpu.memory_space<vmem>>[vector<16xi32>], vector<16xf32>,
    %sub3A_826 = arith.constant 1.000000e+00 : f32
    %sub3A_827 = vector.broadcast %sub3A_826 : f32 to vector<16xf32>
    %sub3A_828 = arith.subf %sub3A_827, %gather3A_825 : vector<16xf32>
    tpu.vector_store_idx %arg7[%get3A_824], %sub3A_828 : memref<8192xf32, #tpu.memory_space<vmem>>[vector<16xi32>], vector<16xf32>,
    %dma_start3A_829 = arith.constant 15 : i32
    %dma_start3A_830 = arith.constant 0 : i32
    %dma_start3A_831 = tpu.memref_slice %arg4[%add3A_4, %dma_start3A_829, %dma_start3A_830] : memref<64x16x8192xf32, #tpu.memory_space<hbm>> -> memref<1x1x8192xf32, #tpu.memory_space<hbm>>
    %dma_start3A_832 = tpu.memref_squeeze %dma_start3A_831 : memref<1x1x8192xf32, #tpu.memory_space<hbm>> -> memref<8192xf32, #tpu.memory_space<hbm>>
    %dma_start3A_833 = arith.constant 0 : i32
    %dma_start3A_834 = tpu.memref_slice %arg4[%add3A_4, %dma_start3A_829, %dma_start3A_833] : memref<64x16x8192xf32, #tpu.memory_space<hbm>> -> memref<1x1x8192xf32, #tpu.memory_space<hbm>>
    %dma_start3A_835 = tpu.memref_squeeze %dma_start3A_834 : memref<1x1x8192xf32, #tpu.memory_space<hbm>> -> memref<8192xf32, #tpu.memory_space<hbm>>
    tpu.enqueue_dma source(%arg7 : memref<8192xf32, #tpu.memory_space<vmem>>) target(%dma_start3A_835 : memref<8192xf32, #tpu.memory_space<hbm>>) target_semaphore(%arg12 : memref<!tpu.dma_semaphore, #tpu.memory_space<semaphore_mem>>)
    %dma_wait3A_836 = arith.constant 13 : i32
    %dma_wait3A_837 = arith.constant 0 : i32
    %dma_wait3A_838 = tpu.memref_slice %arg4[%add3A_8, %dma_wait3A_836, %dma_wait3A_837] : memref<64x16x8192xf32, #tpu.memory_space<hbm>> -> memref<1x1x8192xf32, #tpu.memory_space<hbm>>
    %dma_wait3A_839 = tpu.memref_squeeze %dma_wait3A_838 : memref<1x1x8192xf32, #tpu.memory_space<hbm>> -> memref<8192xf32, #tpu.memory_space<hbm>>
    %dma_wait3A_840 = arith.constant 0 : i32
    %dma_wait3A_841 = tpu.memref_slice %arg4[%add3A_8, %dma_wait3A_836, %dma_wait3A_840] : memref<64x16x8192xf32, #tpu.memory_space<hbm>> -> memref<1x1x8192xf32, #tpu.memory_space<hbm>>
    %dma_wait3A_842 = tpu.memref_squeeze %dma_wait3A_841 : memref<1x1x8192xf32, #tpu.memory_space<hbm>> -> memref<8192xf32, #tpu.memory_space<hbm>>
    tpu.wait_dma2 semaphore(%arg13 : memref<!tpu.dma_semaphore, #tpu.memory_space<semaphore_mem>>) src(%arg8 : memref<8192xf32, #tpu.memory_space<vmem>>) dst(%dma_wait3A_842 : memref<8192xf32, #tpu.memory_space<hbm>>)
    tpu.vector_store_idx %arg8[%get3A_752], %gather3A_753 : memref<8192xf32, #tpu.memory_space<vmem>>[vector<16xi32>], vector<16xf32>,
    %get3A_843 = arith.constant 1 : i32
    %get3A_844 = arith.constant 15 : i32
    %get3A_845 = arith.index_cast %get3A_843 : i32 to index
    %get3A_846 = arith.index_cast %get3A_844 : i32 to index
    %get3A_847 = arith.constant 0 : index
    %get3A_848 = tpu.vector_load %arg9[%get3A_845, %get3A_846, %get3A_847] {strides = array<i32>} : memref<2x16x16xi32, #tpu.memory_space<vmem>>, vector<16xi32>,
    %gather3A_849 = tpu.vector_load_idx %arg8[%get3A_848] : memref<8192xf32, #tpu.memory_space<vmem>>[vector<16xi32>], vector<16xf32>,
    %sub3A_850 = arith.constant 1.000000e+00 : f32
    %sub3A_851 = vector.broadcast %sub3A_850 : f32 to vector<16xf32>
    %sub3A_852 = arith.subf %sub3A_851, %gather3A_849 : vector<16xf32>
    tpu.vector_store_idx %arg8[%get3A_848], %sub3A_852 : memref<8192xf32, #tpu.memory_space<vmem>>[vector<16xi32>], vector<16xf32>,
    %dma_start3A_853 = arith.constant 15 : i32
    %dma_start3A_854 = arith.constant 0 : i32
    %dma_start3A_855 = tpu.memref_slice %arg4[%add3A_8, %dma_start3A_853, %dma_start3A_854] : memref<64x16x8192xf32, #tpu.memory_space<hbm>> -> memref<1x1x8192xf32, #tpu.memory_space<hbm>>
    %dma_start3A_856 = tpu.memref_squeeze %dma_start3A_855 : memref<1x1x8192xf32, #tpu.memory_space<hbm>> -> memref<8192xf32, #tpu.memory_space<hbm>>
    %dma_start3A_857 = arith.constant 0 : i32
    %dma_start3A_858 = tpu.memref_slice %arg4[%add3A_8, %dma_start3A_853, %dma_start3A_857] : memref<64x16x8192xf32, #tpu.memory_space<hbm>> -> memref<1x1x8192xf32, #tpu.memory_space<hbm>>
    %dma_start3A_859 = tpu.memref_squeeze %dma_start3A_858 : memref<1x1x8192xf32, #tpu.memory_space<hbm>> -> memref<8192xf32, #tpu.memory_space<hbm>>
    tpu.enqueue_dma source(%arg8 : memref<8192xf32, #tpu.memory_space<vmem>>) target(%dma_start3A_859 : memref<8192xf32, #tpu.memory_space<hbm>>) target_semaphore(%arg13 : memref<!tpu.dma_semaphore, #tpu.memory_space<semaphore_mem>>)
    %dma_wait3A_860 = arith.constant 14 : i32
    %dma_wait3A_861 = arith.constant 0 : i32
    %dma_wait3A_862 = tpu.memref_slice %arg4[%add3A_4, %dma_wait3A_860, %dma_wait3A_861] : memref<64x16x8192xf32, #tpu.memory_space<hbm>> -> memref<1x1x8192xf32, #tpu.memory_space<hbm>>
    %dma_wait3A_863 = tpu.memref_squeeze %dma_wait3A_862 : memref<1x1x8192xf32, #tpu.memory_space<hbm>> -> memref<8192xf32, #tpu.memory_space<hbm>>
    %dma_wait3A_864 = arith.constant 0 : i32
    %dma_wait3A_865 = tpu.memref_slice %arg4[%add3A_4, %dma_wait3A_860, %dma_wait3A_864] : memref<64x16x8192xf32, #tpu.memory_space<hbm>> -> memref<1x1x8192xf32, #tpu.memory_space<hbm>>
    %dma_wait3A_866 = tpu.memref_squeeze %dma_wait3A_865 : memref<1x1x8192xf32, #tpu.memory_space<hbm>> -> memref<8192xf32, #tpu.memory_space<hbm>>
    tpu.wait_dma2 semaphore(%arg10 : memref<!tpu.dma_semaphore, #tpu.memory_space<semaphore_mem>>) src(%arg5 : memref<8192xf32, #tpu.memory_space<vmem>>) dst(%dma_wait3A_866 : memref<8192xf32, #tpu.memory_space<hbm>>)
    %dma_wait3A_867 = arith.constant 14 : i32
    %dma_wait3A_868 = arith.constant 0 : i32
    %dma_wait3A_869 = tpu.memref_slice %arg4[%add3A_8, %dma_wait3A_867, %dma_wait3A_868] : memref<64x16x8192xf32, #tpu.memory_space<hbm>> -> memref<1x1x8192xf32, #tpu.memory_space<hbm>>
    %dma_wait3A_870 = tpu.memref_squeeze %dma_wait3A_869 : memref<1x1x8192xf32, #tpu.memory_space<hbm>> -> memref<8192xf32, #tpu.memory_space<hbm>>
    %dma_wait3A_871 = arith.constant 0 : i32
    %dma_wait3A_872 = tpu.memref_slice %arg4[%add3A_8, %dma_wait3A_867, %dma_wait3A_871] : memref<64x16x8192xf32, #tpu.memory_space<hbm>> -> memref<1x1x8192xf32, #tpu.memory_space<hbm>>
    %dma_wait3A_873 = tpu.memref_squeeze %dma_wait3A_872 : memref<1x1x8192xf32, #tpu.memory_space<hbm>> -> memref<8192xf32, #tpu.memory_space<hbm>>
    tpu.wait_dma2 semaphore(%arg11 : memref<!tpu.dma_semaphore, #tpu.memory_space<semaphore_mem>>) src(%arg6 : memref<8192xf32, #tpu.memory_space<vmem>>) dst(%dma_wait3A_873 : memref<8192xf32, #tpu.memory_space<hbm>>)
    %dma_wait3A_874 = arith.constant 15 : i32
    %dma_wait3A_875 = arith.constant 0 : i32
    %dma_wait3A_876 = tpu.memref_slice %arg4[%add3A_4, %dma_wait3A_874, %dma_wait3A_875] : memref<64x16x8192xf32, #tpu.memory_space<hbm>> -> memref<1x1x8192xf32, #tpu.memory_space<hbm>>
    %dma_wait3A_877 = tpu.memref_squeeze %dma_wait3A_876 : memref<1x1x8192xf32, #tpu.memory_space<hbm>> -> memref<8192xf32, #tpu.memory_space<hbm>>
    %dma_wait3A_878 = arith.constant 0 : i32
    %dma_wait3A_879 = tpu.memref_slice %arg4[%add3A_4, %dma_wait3A_874, %dma_wait3A_878] : memref<64x16x8192xf32, #tpu.memory_space<hbm>> -> memref<1x1x8192xf32, #tpu.memory_space<hbm>>
    %dma_wait3A_880 = tpu.memref_squeeze %dma_wait3A_879 : memref<1x1x8192xf32, #tpu.memory_space<hbm>> -> memref<8192xf32, #tpu.memory_space<hbm>>
    tpu.wait_dma2 semaphore(%arg12 : memref<!tpu.dma_semaphore, #tpu.memory_space<semaphore_mem>>) src(%arg7 : memref<8192xf32, #tpu.memory_space<vmem>>) dst(%dma_wait3A_880 : memref<8192xf32, #tpu.memory_space<hbm>>)
    %dma_wait3A_881 = arith.constant 15 : i32
    %dma_wait3A_882 = arith.constant 0 : i32
    %dma_wait3A_883 = tpu.memref_slice %arg4[%add3A_8, %dma_wait3A_881, %dma_wait3A_882] : memref<64x16x8192xf32, #tpu.memory_space<hbm>> -> memref<1x1x8192xf32, #tpu.memory_space<hbm>>
    %dma_wait3A_884 = tpu.memref_squeeze %dma_wait3A_883 : memref<1x1x8192xf32, #tpu.memory_space<hbm>> -> memref<8192xf32, #tpu.memory_space<hbm>>
    %dma_wait3A_885 = arith.constant 0 : i32
    %dma_wait3A_886 = tpu.memref_slice %arg4[%add3A_8, %dma_wait3A_881, %dma_wait3A_885] : memref<64x16x8192xf32, #tpu.memory_space<hbm>> -> memref<1x1x8192xf32, #tpu.memory_space<hbm>>
    %dma_wait3A_887 = tpu.memref_squeeze %dma_wait3A_886 : memref<1x1x8192xf32, #tpu.memory_space<hbm>> -> memref<8192xf32, #tpu.memory_space<hbm>>
    tpu.wait_dma2 semaphore(%arg13 : memref<!tpu.dma_semaphore, #tpu.memory_space<semaphore_mem>>) src(%arg8 : memref<8192xf32, #tpu.memory_space<vmem>>) dst(%dma_wait3A_887 : memref<8192xf32, #tpu.memory_space<hbm>>)
    return
  }
}

</mosaic_0001>

<sc_bundles>
// kernel: kernel.3.cloned.1.call-start
scs
__scs_entry_jumppad:
0x0: {  	(pc) =	sbr.rel $0x88, $3  }
0x1: {  	(tag) =	ssettag $0x0;
	lr =	simm.s32 $0x1  }
0x2: {  	[smem:$0x3FA0] =	sst lr;
	_ =	strace $0xD0000000  }
0x3: {  	_ = 	snop  }
0x4: {  	_ = 	snop  }
0x5: {  	_ = 	snop  }
0x6: {  	_ = 	snop  }
0x7: {  	_ = 	snop  }
__scs_overlays_trampoline_lowered:
0x8: {  	[smem:$0x3FAF] =	sst s0  }
0x9: {  	[smem:$0x3FB0] =	sst s1  }
0xa: {  	[smem:$0x3FB1] =	sst s2  }
0xb: {  	[smem:$0x3FB2] =	sst s3  }
0xc: {  	[smem:$0x3FB3] =	sst s4  }
0xd: {  	[smem:$0x3FB4] =	sst s5  }
0xe: {  	[smem:$0x3FB5] =	sst s6  }
0xf: {  	[smem:$0x3FB6] =	sst s7  }
0x10: {  	[smem:$0x3FB7] =	sst s8  }
0x11: {  	[smem:$0x3FB8] =	sst s9;
	s0 =	simm.s32 @!p0 $0x0  }
0x12: {  	s1 =	sld [smem:$0x3F9E];
	s0 =	simm.s32 @p0 $0x1  }
0x13: {  	[smem:$0x3FB9] =	sst s0;
	s0 =	simm.s32 @!p1 $0x0  }
0x14: {  	s2 =	sld [smem:$0x3F9D];
	s0 =	simm.s32 @p1 $0x1  }
0x15: {  	[smem:$0x3FBA] =	sst s0;
	s0 =	simm.s32 @!p2 $0x0  }
0x16: {  	s3 =	sld [smem:$0x3FDB];
	s0 =	simm.s32 @p2 $0x1  }
0x17: {  	s4 =	simm.s32 $0x1BF5;
	[smem:$0x3FBC] =	sst s0  }
0x18: {  	s0 =	sld [smem:$0x3F9F];
	_ =	swait.ge [sflag:s4], $0x0  }
0x19: {  	s7 =	sld [smem:$0x3FA0]  }
0x1a: {  	s8 =	sadd.s32 $0xFFFFE003, lr  }
0x1b: {  	s9 =	sadd.s32 $0xFFFFFEF7, lr;
	s5 =	simm.s32 $0xFFFFFFFF;
	p2 =	slt.u32 s8, $0xFFFFF086  }
0x1c: {  	p1 =	slt.u32 s9, $0xF7A;
	s5 =	simm.s32 @!p2 $0x0  }
0x1d: {  	s5 =	simm.s32 @p1 $0x1;
	p0 =	seq.s32 s7, s2  }
0x1e: {  	s7 =	smul.u32 @!p0 $0xF7A, s2;
	p2 =	seq.s32 @!p0 s5, $0x0  }
0x1f: {  	s9 =	smul.u32 $0xF7A, s1;
	s8 =	simm.s32 @!p0 $0x1BF5;
	p2 =	por !p2, p0  }
0x20: {  	[sflag:s8] =	ssyncset.s32 @!p0 $0xFFFFF086;
	s6 =	sadd.s32 @!p0 s3, s7;
	s7 =	simm.s32 @!p0 $0x108  }
0x21: {  	s3 =	sadd.s32 s3, s9;
	s6 =	sadd.s32 @!p0 $0x88, s6;
	s7 =	simm.s32 @p2 $0x1082  }
0x22: {  	[simem:s7], [sflag:s8] =	dma.local @!p0 [hbm:s6], $0xF7A  }
0x23: {  	s9 =	sor.u32 $0xD0000000, s2;
	s6 =	simm.s32 $0x108;
	_ =	swait.ge @!p0 [sflag:s8], $0x0  }
0x24: {  	s3 =	sadd.s32 $0x88, s3;
	s6 =	simm.s32 @!p1 $0x1082;
	[sflag:s4] =	ssyncset.s32 $0xFFFFF086  }
0x25: {  	[simem:s6], [sflag:s4] =	dma.local [hbm:s3], $0xF7A  }
0x26: {  	[smem:$0x3FA0] =	sst s1;
	(tag) =	ssettag s2;
	_ =	strace s9  }
0x27: {  	s1 =	sld [smem:$0x3FB0]  }
0x28: {  	s2 =	sld [smem:$0x3FB1]  }
0x29: {  	s4 =	sld [smem:$0x3FB3]  }
0x2a: {  	p0 =	seq.s32 s5, $0x0;
	s5 =	sld [smem:$0x3FB4]  }
0x2b: {  	s6 =	sld [smem:$0x3FB5]  }
0x2c: {  	s7 =	sld [smem:$0x3FB6]  }
0x2d: {  	s3 =	simm.s32 $0x108;
	s8 =	sld [smem:$0x3FB7]  }
0x2e: {  	s3 =	simm.s32 @!p0 $0x1082;
	s9 =	sld [smem:$0x3FB8]  }
0x2f: {  	lr =	sadd.s32 s0, s3;
	s0 =	sld [smem:$0x3FAF]  }
0x30: {  	s3 =	sld [smem:$0x3FB2]  }
0x31: {  	[smem:$0x3FBB] =	sst s10  }
0x32: {  	s10 =	sld [smem:$0x3FB9];
	_ =	sdelay $0x3  }
0x33: {  	p0 =	seq.s32 s10, $0x1;
	s10 =	sld [smem:$0x3FBB];
	_ =	sdelay $0x3  }
0x34: {  	[smem:$0x3FBB] =	sst s10  }
0x35: {  	s10 =	sld [smem:$0x3FBA];
	_ =	sdelay $0x3  }
0x36: {  	p1 =	seq.s32 s10, $0x1;
	s10 =	sld [smem:$0x3FBB];
	_ =	sdelay $0x3  }
0x37: {  	[smem:$0x3FBB] =	sst s10  }
0x38: {  	s10 =	sld [smem:$0x3FBC]  }
0x39: {  	_ = 	snop;
	(pc) =	sbr.ind lr, $3  }
0x3a: {  	_ = 	snop  }
0x3b: {  	_ = 	snop  }
0x3c: {  	p2 =	seq.s32 s10, $0x1;
	s10 =	sld [smem:$0x3FBB]  }
0x3d: {  	_ =	shalt  }
0x3e: {  	_ =	shalt  }
0x3f: {  	_ =	shalt  }
0x40: {  	_ =	shalt  }
0x41: {  	_ =	shalt  }
0x42: {  	_ =	shalt  }
0x43: {  	_ =	shalt  }
0x44: {  	_ =	shalt  }
0x45: {  	_ =	shalt  }
0x46: {  	_ =	shalt  }
0x47: {  	_ =	shalt  }
0x48: {  	_ =	shalt  }
0x49: {  	_ =	shalt  }
0x4a: {  	_ =	shalt  }
0x4b: {  	_ =	shalt  }
0x4c: {  	_ =	shalt  }
0x4d: {  	_ =	shalt  }
0x4e: {  	_ =	shalt  }
0x4f: {  	_ =	shalt  }
0x50: {  	_ =	shalt  }
0x51: {  	_ =	shalt  }
0x52: {  	_ =	shalt  }
0x53: {  	_ =	shalt  }
0x54: {  	_ =	shalt  }
0x55: {  	_ =	shalt  }
0x56: {  	_ =	shalt  }
0x57: {  	_ =	shalt  }
0x58: {  	_ =	shalt  }
0x59: {  	_ =	shalt  }
0x5a: {  	_ =	shalt  }
0x5b: {  	_ =	shalt  }
0x5c: {  	_ =	shalt  }
0x5d: {  	_ =	shalt  }
0x5e: {  	_ =	shalt  }
0x5f: {  	_ =	shalt  }
0x60: {  	_ =	shalt  }
0x61: {  	_ =	shalt  }
0x62: {  	_ =	shalt  }
0x63: {  	_ =	shalt  }
0x64: {  	_ =	shalt  }
0x65: {  	_ =	shalt  }
0x66: {  	_ =	shalt  }
0x67: {  	_ =	shalt  }
0x68: {  	_ =	shalt  }
0x69: {  	_ =	shalt  }
0x6a: {  	_ =	shalt  }
0x6b: {  	_ =	shalt  }
0x6c: {  	_ =	shalt  }
0x6d: {  	_ =	shalt  }
0x6e: {  	_ =	shalt  }
0x6f: {  	_ =	shalt  }
0x70: {  	_ =	shalt  }
0x71: {  	_ =	shalt  }
0x72: {  	_ =	shalt  }
0x73: {  	_ =	shalt  }
0x74: {  	_ =	shalt  }
0x75: {  	_ =	shalt  }
0x76: {  	_ =	shalt  }
0x77: {  	_ =	shalt  }
0x78: {  	_ =	shalt  }
0x79: {  	_ =	shalt  }
0x7a: {  	_ =	shalt  }
0x7b: {  	_ =	shalt  }
0x7c: {  	_ =	shalt  }
0x7d: {  	_ =	shalt  }
0x7e: {  	_ =	shalt  }
0x7f: {  	_ =	shalt  }
0x80: {  	_ =	shalt  }
0x81: {  	_ =	shalt  }
0x82: {  	_ =	shalt  }
0x83: {  	_ =	shalt  }
0x84: {  	_ =	shalt  }
0x85: {  	_ =	shalt  }
0x86: {  	_ =	shalt  }
0x87: {  	_ =	shalt  }
.Lfunc_end0:
.L_simem_size_0:
called_computation_lowered:
.L_overlay_start_0:
0x88: {  	s2 =	sld [smem:$0x3FD9]  }
0x89: {  	s3 =	sld [smem:$0x3FFE];
	_ =	sdelay $0x1  }
0x8a: {  	s1 =	srdreg.scid  }
0x8b: {  	s0 =	sand.u32 $0x1, s1  }
0x8c: {  	s17 =	sshll.u32 s0, $0xA;
	s2 =	sadd.s32 s3, s2  }
0x8d: {  	s2 =	sadd.s32 s2, s17  }
0x8e: {  	[smem:$0x3FC7] =	sst s2  }
0x8f: {  	_ = 	snop  }
0x90: {  	s2 =	sld [smem:$0x3FC9]  }
0x91: {  	s18 =	sld [smem:$0x3FD0];
	(tm) =	ssettm $0x1  }
0x92: {  	s4 =	sld [smem:$0x3FFB];
	_ =	sdelay $0x3  }
0x93: {  	_ =	strace s4  }
0x94: {  	s4 =	sld [smem:$0x3FFC];
	_ =	sdelay $0x3  }
0x95: {  	_ =	strace s4  }
0x96: {  	s4 =	sld [smem:$0x3FFD];
	_ =	sdelay $0x3  }
0x97: {  	_ =	strace s4  }
0x98: {  	_ =	strace $0x8FFFFFFF  }
0x99: {  	s19 =	sld [smem:$0x3FDB];
	_ =	sdelay $0x1  }
0x9a: {  	s5 =	simm.s32 $_scs_section_size  }
0x9b: {  	s6 =	simm.s32 $_size__tile_overlayer_lowered;
	s7 =	simm.s32 $_tile_overlayer_lowered  }
0x9c: {  	s22 =	simm.s32 $0x1BFF;
	s21 =	sshll.u32 s7, $0x1;
	s4 =	sadd.s32 s5, s19  }
0x9d: {  	s8 =	simm.s32 $0x0;
	s20 =	sshll.u32 s6, $0x1;
	s6 =	sadd.s32 s21, s4  }
0x9e: {  	[timem:s8], [sflag:s22] =	dma.local [hbm:s6], s20  }
0x9f: {  	_ =	swait.ge [sflag:s22], s20  }
0xa0: {  	s5 =	ssub.s32 $0x0, s20;
	[sflag:s22] =	ssyncset.done $0x0  }
0xa1: {  	[sflag:s22] =	ssyncadd.s32 s5;
	_ =	sdelay $0x1  }
0xa2: {  	s23 =	simm.s32 $0x1B8B  }
0xa3: {  	_ =	swait.ge [sflag:s23], $0x1  }
0xa4: {  	[sflag:s23] =	ssyncset.done $0x0  }
0xa5: {  	s25 =	simm.s32 $0x1B8E;
	s24 =	sld [smem:$0x3FFE];
	[sflag:s23] =	ssyncadd.s32 $0xFFFFFFFF  }
0xa6: {  	s26 =	simm.s32 $execute0_lowered;
	[smem:$0x3FD2] =	sst s25  }
0xa7: {  	s6 =	sshll.u32 s26, $0x1;
	_ =	strace $0x80000046;
	[dreg:$0x1] =	wrdreg $0xFFFFFFFF  }
0xa8: {  	s28 =	simm.s32 $_size_execute0_lowered;
	s4 =	sadd.s32 s4, s6;
	[dreg:$0x0] =	wrdreg $0x0  }
0xa9: {  	s6 =	sshll.u32 s28, $0x1;
	[dreg:$0x2] =	wrdreg s4  }
0xaa: {  	[dreg:$0x3] =	wrdreg s6  }
0xab: {  	[dreg:$0x4] =	wrdreg $0xC0  }
0xac: {  	_ =	task [dreg:s8], $0x5FFFF  }
0xad: {  	[dreg:$0x1] =	wrdreg $0xFFFFFFFF  }
0xae: {  	[dreg:$0x0] =	wrdreg $0x60  }
0xaf: {  	[dreg:$0x2] =	wrdreg s2  }
0xb0: {  	[dreg:$0x3] =	wrdreg s24  }
0xb1: {  	[dreg:$0x4] =	wrdreg s18  }
0xb2: {  	[dreg:$0x5] =	wrdreg $0x9  }
0xb3: {  	_ =	task.clear_ibuf [dreg:s8], $0x6FFFF;
	_ =	strace $0x90000046  }
0xb4: {  	s29 =	simm.s32 $0x9;
	_ =	strace $0x80000048  }
0xb5: {  	_ =	swait.ge [sflag:s29], $0x1  }
0xb6: {  	[sflag:s29] =	ssyncadd.s32 $0xFFFFFFFF  }
0xb7: {  	_ =	strace $0x90000048  }
0xb8: {  	_ =	sfence  }
0xb9: {  	s30 =	sld [smem:$0x0];
	_ =	sdelay $0x2  }
0xba: {  	s31 =	sshll.u32 s1, $0xD;
	s1 =	sshrl.u32 s1, $0x2  }
0xbb: {  	s3 =	sand.u32 $0x4000, s31;
	s1 =	sadd.s32 s1, s30  }
0xbc: {  	s0 =	sor.u32 s3, s0;
	s1 =	sshll.u32 s1, $0x11  }
0xbd: {  	s0 =	sor.u32 s1, s0  }
0xbe: {  	s0 =	sadd.s32 $0x8F2B, s0  }
0xbf: {  	[sflag:s0] =	ssyncadd.remote.s32 $0x1  }
0xc0: {  	_ =	sfence.sel $0xFFFF  }
0xc1: {  	[dreg:$0x0] =	wrdreg $0xFFFFFFFF;
	(pc) =	sbr.abs _section_cstart, $3  }
0xc2: {  	[dreg:$0x1] =	wrdreg $0xFFFFFFFF  }
0xc3: {  	_ =	task.clear_ibuf [dreg:s8], $0x2FFFF;
	_ =	strace $0x9FFFFFFF  }
0xc4: {  	(tm) =	ssettm $0x7FFFFFFF  }
0xc5: {  	_ =	shalt  }
tec
execute0_lowered:
.L_overlay_start_1:
0x0: {  	(tag) =	ssettag $0x1  }
0x1: {  	s4 =	rddreg [dreg:$0x0]  }
0x2: {  	s3 =	rddreg [dreg:$0x1]  }
0x3: {  	s0 =	rddreg [dreg:$0x2];
	s2 =	simm.s32 $0x0;
	s5 =	srdreg.scid  }
0x4: {  	s1 =	stileid.u32;
	s28 =	simm.s32 $0x6000;
	s29 =	simm.s32 $0x1  }
0x5: {  	s30 =	simm.s32 $0x2;
	s31 =	simm.s32 $0x3;
	[smem:$0x7FF] =	sst s2  }
0x6: {  	s5 =	sand.u32 $0x1, s5;
	s6 =	sshll.u32 s1, $0x1;
	s3 =	sadd.s32 $0xA00, s3  }
0x7: {  	s15 =	sadd.s32 $0x10, s0;
	s21 =	sadd.s32 $0x20, s0;
	s24 =	sadd.s32 $0x30, s0  }
0x8: {  	s11 =	sadd.s32 $0x50, s0;
	_ =	strace $0x80000047;
	s6 =	sor.u32 s5, s6  }
0x9: {  	s5 =	ssub.s32 $0x2, s5;
	s7 =	sshllo.u32 s6, $0x1;
	s8 =	sshll.u32 s6, $0x9  }
0xa: {  	s9 =	sshrl.u32 s5, $0x1;
	s18 =	sshll.u32 s6, $0xF;
	s8 =	sadd.s32 s3, s8  }
0xb: {  	s12 =	sshll.u32 s6, $0x8;
	s13 =	sadd.s32 s0, s18;
	[dreg:$0x4] =	wrdreg s8  }
0xc: {  	s10 =	sshll.u32 s7, $0x8;
	s16 =	sadd.s32 s18, s15;
	[dreg:$0x6] =	wrdreg s13  }
0xd: {  	s20 =	ssub.s32 s5, s9;
	s22 =	sadd.s32 s18, s21;
	[dreg:$0x8] =	wrdreg s16  }
0xe: {  	s5 =	sshll.u32 s1, $0xF;
	s25 =	sadd.s32 s18, s24;
	[dreg:$0xa] =	wrdreg s22  }
0xf: {  	s19 =	sshll.u32 s7, $0xE;
	s3 =	sadd.s32 s3, s10;
	[dreg:$0xc] =	wrdreg s25  }
0x10: {  	s1 =	sadd.s32 $0x40, s0;
	s14 =	sadd.s32 s0, s19;
	[dreg:$0x5] =	wrdreg s3  }
0x11: {  	s7 =	sshll.u32 s7, $0x7;
	s17 =	sadd.s32 s19, s15;
	[dreg:$0x7] =	wrdreg s14  }
0x12: {  	s23 =	sadd.s32 s19, s21;
	s26 =	sadd.s32 s19, s24;
	[dreg:$0x9] =	wrdreg s17  }
0x13: {  	s9 =	sadd.s32 s18, s1;
	s10 =	sadd.s32 s19, s1;
	[dreg:$0xb] =	wrdreg s23  }
0x14: {  	s13 =	sadd.s32 s19, s11;
	s25 =	sadd.s32 $0x2010, s0;
	[dreg:$0xd] =	wrdreg s26  }
0x15: {  	s20 =	smax.u32 s20, $0x1;
	s3 =	sor.u32 s5, s12;
	[dreg:$0xe] =	wrdreg s9  }
0x16: {  	[dreg:$0xf] =	wrdreg s10;
	s12 =	sadd.s32 s18, s11;
	s14 =	sadd.s32 $0x60, s0  }
0x17: {  	s5 =	sor.u32 s5, s7;
	[dreg:$0x11] =	wrdreg s13;
	s17 =	sadd.s32 $0x70, s0  }
0x18: {  	s23 =	sadd.s32 $0x2000, s0;
	s6 =	sadd.s32 s18, s25;
	s26 =	sadd.s32 $0x2020, s0  }
0x19: {  	s7 =	sadd.s32 s19, s25;
	s11 =	sadd.s32 $0x2030, s0;
	s13 =	sadd.s32 $0x2040, s0  }
0x1a: {  	s25 =	simm.s32 $0x2000;
	s3 =	sand.u32 $0x70300, s3;
	[dreg:$0x10] =	wrdreg s12  }
0x1b: {  	s15 =	sadd.s32 s18, s14;
	s16 =	sadd.s32 s19, s14;
	s5 =	sand.u32 $0x70380, s5  }
0x1c: {  	s21 =	sadd.s32 s18, s17;
	s22 =	sadd.s32 s19, s17;
	s24 =	sadd.s32 s18, s23  }
0x1d: {  	s8 =	sadd.s32 s18, s26;
	s9 =	sadd.s32 s19, s26;
	[dreg:$0x12] =	wrdreg s15  }
0x1e: {  	s10 =	sadd.s32 s18, s11;
	s11 =	sadd.s32 s19, s11;
	[dreg:$0x13] =	wrdreg s16  }
0x1f: {  	s12 =	sadd.s32 s18, s13;
	s13 =	sadd.s32 s19, s13;
	[dreg:$0x14] =	wrdreg s21  }
0x20: {  	s17 =	sadd.s32 $0x2060, s0;
	s26 =	simm.s32 $0x4000;
	[dreg:$0x15] =	wrdreg s22  }
0x21: {  	s3 =	sshrl.u32 s3, $0x3;
	s5 =	sshrl.u32 s5, $0x3;
	[dreg:$0x16] =	wrdreg s24  }
0x22: {  	s15 =	sadd.s32 $0x2050, s0;
	s16 =	sadd.s32 s18, s17;
	s0 =	sadd.s32 $0x2070, s0  }
0x23: {  	s17 =	sadd.s32 s19, s17;
	s24 =	simm.s32 $0x400;
	s22 =	simm.s32 $0x8000  }
0x24: {  	s3 =	sadd.s32 s4, s3;
	s4 =	sadd.s32 s4, s5;
	s5 =	sadd.s32 s19, s23  }
0x25: {  	s14 =	sadd.s32 s18, s15;
	s15 =	sadd.s32 s19, s15;
	s18 =	sadd.s32 s18, s0  }
0x26: {  	s19 =	sadd.s32 s19, s0;
	s23 =	simm.s32 $0x80;
	s0 =	simm.s32 $0x4  }
.LBB2_1:
0x27: {  	s1 =	rddreg [dreg:$0x4]  }
0x28: {  	[tilespmem:s22], [sflag:$0x1] =	stream.linear.gather [hbm4b:s1+s2], $0x800, $0x38;
	[tilespmem:$0x9000] =	vst v63  }
0x29: {  	s21 =	rddreg [dreg:$0x5];
	s1 =	simm.s32 $0x8800  }
0x2a: {  	[tilespmem:s1], [sflag:$0x2] =	stream.linear.gather [hbm4b:s21+s2], $0x800, $0x38;
	[tilespmem:$0x9000] =	vst v63  }
0x2b: {  	_ = 	snop  }
0x2c: {  	[tilespmem:s2], [sflag:$0x1] =	stream.strided.gather [hbm4b:s3+s23], $0x2000, s24, s23, $0x38;
	[tilespmem:$0x9000] =	vst v63  }
0x2d: {  	_ = 	snop  }
0x2e: {  	[tilespmem:s25], [sflag:$0x2] =	stream.strided.gather [hbm4b:s4+s23], $0x2000, s24, s23, $0x38;
	[tilespmem:$0x9000] =	vst v63  }
0x2f: {  	_ = 	snop  }
0x30: {  	[tilespmem:s26], [sflag:$0x3] =	stream.strided.gather [hbm4b:s3+s23], $0x2000, s24, s23, $0x38;
	[tilespmem:$0x9000] =	vst v63  }
0x31: {  	_ = 	snop  }
0x32: {  	[tilespmem:s28], [sflag:$0x4] =	stream.strided.gather [hbm4b:s4+s23], $0x2000, s24, s23, $0x38;
	[tilespmem:$0x9000] =	vst v63  }
0x33: {  	_ =	swait.ge [sflag:s29], $0x800  }
0x34: {  	[sflag:s29] =	ssyncset.done $0x0  }
0x35: {  	[sflag:s29] =	ssyncadd.s32 $0xFFFFF800  }
0x36: {  	_ =	swait.ge [sflag:s30], $0x800  }
0x37: {  	[sflag:s30] =	ssyncset.done $0x0  }
0x38: {  	[sflag:s30] =	ssyncadd.s32 $0xFFFFF800  }
0x39: {  	_ =	swait.ge [sflag:s29], $0x2000  }
0x3a: {  	[sflag:s29] =	ssyncset.done $0x0  }
0x3b: {  	[sflag:s29] =	ssyncadd.s32 $0xFFFFE000  }
0x3c: {  	_ =	swait.ge [sflag:s30], $0x2000  }
0x3d: {  	[sflag:s30] =	ssyncset.done $0x0  }
0x3e: {  	[sflag:s30] =	ssyncadd.s32 $0xFFFFE000  }
0x3f: {  	_ =	swait.ge [sflag:s31], $0x2000  }
0x40: {  	[sflag:s31] =	ssyncset.done $0x0  }
0x41: {  	[sflag:s31] =	ssyncadd.s32 $0xFFFFE000  }
0x42: {  	_ =	swait.ge [sflag:s0], $0x2000  }
0x43: {  	[sflag:s0] =	ssyncset.done $0x0  }
0x44: {  	[sflag:s0] =	ssyncadd.s32 $0xFFFFE000  }
0x45: {  	v0 =	vld [tilespmem:$0x8000];
	_ =	sdelay $0x7  }
0x46: {  	v1 =	vld.idx.msk [tilespmem:v0+s2+$0x0], $0xffff;
	_ =	sdelay $0x4  }
0x47: {  	v2 =	vsub.f32 $1.000000000e+00, v1;
	_ =	sdelay $0x1  }
0x48: {  	s21 =	rddreg [dreg:$0x6];
	[tilespmem:v0+s2+$0x0] =	vst.idx.msk $0xffff, v2  }
0x49: {  	[hbm4b:s21+s23] =	stream.strided.scatter [tilespmem:s2], [sflag:$0x1], $0x2000, s24, s23, $0x38;
	[tilespmem:$0x9000] =	vst v63  }
0x4a: {  	v2 =	vld [tilespmem:$0x8800];
	_ =	sdelay $0x7  }
0x4b: {  	v3 =	vld.idx.msk [tilespmem:v2+s25+$0x0], $0xffff;
	_ =	sdelay $0x4  }
0x4c: {  	v4 =	vsub.f32 $1.000000000e+00, v3;
	_ =	sdelay $0x1  }
0x4d: {  	s21 =	rddreg [dreg:$0x7];
	[tilespmem:v2+s25+$0x0] =	vst.idx.msk $0xffff, v4  }
0x4e: {  	[hbm4b:s21+s23] =	stream.strided.scatter [tilespmem:s25], [sflag:$0x2], $0x2000, s24, s23, $0x38;
	[tilespmem:$0x9000] =	vst v63  }
0x4f: {  	v4 =	vld [tilespmem:$0x8080];
	_ =	sdelay $0x7  }
0x50: {  	v5 =	vld.idx.msk [tilespmem:v4+s26+$0x0], $0xffff;
	_ =	sdelay $0x4  }
0x51: {  	v6 =	vsub.f32 $1.000000000e+00, v5;
	_ =	sdelay $0x1  }
0x52: {  	s21 =	rddreg [dreg:$0x8];
	[tilespmem:v4+s26+$0x0] =	vst.idx.msk $0xffff, v6  }
0x53: {  	[hbm4b:s21+s23] =	stream.strided.scatter [tilespmem:s26], [sflag:$0x3], $0x2000, s24, s23, $0x38;
	[tilespmem:$0x9000] =	vst v63  }
0x54: {  	v6 =	vld [tilespmem:$0x8880];
	_ =	sdelay $0x7  }
0x55: {  	v7 =	vld.idx.msk [tilespmem:v6+s28+$0x0], $0xffff;
	_ =	sdelay $0x4  }
0x56: {  	v8 =	vsub.f32 $1.000000000e+00, v7;
	_ =	sdelay $0x1  }
0x57: {  	s21 =	rddreg [dreg:$0x9];
	[tilespmem:v6+s28+$0x0] =	vst.idx.msk $0xffff, v8  }
0x58: {  	[hbm4b:s21+s23] =	stream.strided.scatter [tilespmem:s28], [sflag:$0x4], $0x2000, s24, s23, $0x38;
	[tilespmem:$0x9000] =	vst v63  }
0x59: {  	_ =	swait.ge [sflag:s29], $0x2000  }
0x5a: {  	[sflag:s29] =	ssyncset.done $0x0  }
0x5b: {  	[sflag:s29] =	ssyncadd.s32 $0xFFFFE000  }
0x5c: {  	[tilespmem:v0+s2+$0x0] =	vst.idx.msk $0xffff, v1  }
0x5d: {  	v0 =	vld [tilespmem:$0x8100];
	_ =	sdelay $0x7  }
0x5e: {  	v1 =	vld.idx.msk [tilespmem:v0+s2+$0x0], $0xffff;
	_ =	sdelay $0x4  }
0x5f: {  	v34 =	vsub.f32 $1.000000000e+00, v1;
	_ =	sdelay $0x1  }
0x60: {  	s21 =	rddreg [dreg:$0xa];
	[tilespmem:v0+s2+$0x0] =	vst.idx.msk $0xffff, v34  }
0x61: {  	[hbm4b:s21+s23] =	stream.strided.scatter [tilespmem:s2], [sflag:$0x1], $0x2000, s24, s23, $0x38;
	[tilespmem:$0x9000] =	vst v63  }
0x62: {  	_ =	swait.ge [sflag:s30], $0x2000  }
0x63: {  	[sflag:s30] =	ssyncset.done $0x0  }
0x64: {  	[sflag:s30] =	ssyncadd.s32 $0xFFFFE000  }
0x65: {  	[tilespmem:v2+s25+$0x0] =	vst.idx.msk $0xffff, v3  }
0x66: {  	v2 =	vld [tilespmem:$0x8900];
	_ =	sdelay $0x7  }
0x67: {  	v3 =	vld.idx.msk [tilespmem:v2+s25+$0x0], $0xffff;
	_ =	sdelay $0x4  }
0x68: {  	v35 =	vsub.f32 $1.000000000e+00, v3;
	_ =	sdelay $0x1  }
0x69: {  	s21 =	rddreg [dreg:$0xb];
	[tilespmem:v2+s25+$0x0] =	vst.idx.msk $0xffff, v35  }
0x6a: {  	[hbm4b:s21+s23] =	stream.strided.scatter [tilespmem:s25], [sflag:$0x2], $0x2000, s24, s23, $0x38;
	[tilespmem:$0x9000] =	vst v63  }
0x6b: {  	_ =	swait.ge [sflag:s31], $0x2000  }
0x6c: {  	[sflag:s31] =	ssyncset.done $0x0  }
0x6d: {  	[sflag:s31] =	ssyncadd.s32 $0xFFFFE000  }
0x6e: {  	[tilespmem:v4+s26+$0x0] =	vst.idx.msk $0xffff, v5  }
0x6f: {  	v4 =	vld [tilespmem:$0x8180];
	_ =	sdelay $0x7  }
0x70: {  	v5 =	vld.idx.msk [tilespmem:v4+s26+$0x0], $0xffff;
	_ =	sdelay $0x4  }
0x71: {  	v36 =	vsub.f32 $1.000000000e+00, v5;
	_ =	sdelay $0x1  }
0x72: {  	s21 =	rddreg [dreg:$0xc];
	[tilespmem:v4+s26+$0x0] =	vst.idx.msk $0xffff, v36  }
0x73: {  	[hbm4b:s21+s23] =	stream.strided.scatter [tilespmem:s26], [sflag:$0x3], $0x2000, s24, s23, $0x38;
	[tilespmem:$0x9000] =	vst v63  }
0x74: {  	_ =	swait.ge [sflag:s0], $0x2000  }
0x75: {  	[sflag:s0] =	ssyncset.done $0x0  }
0x76: {  	[sflag:s0] =	ssyncadd.s32 $0xFFFFE000  }
0x77: {  	[tilespmem:v6+s28+$0x0] =	vst.idx.msk $0xffff, v7  }
0x78: {  	v6 =	vld [tilespmem:$0x8980];
	_ =	sdelay $0x7  }
0x79: {  	v7 =	vld.idx.msk [tilespmem:v6+s28+$0x0], $0xffff;
	_ =	sdelay $0x4  }
0x7a: {  	v37 =	vsub.f32 $1.000000000e+00, v7;
	_ =	sdelay $0x1  }
0x7b: {  	s21 =	rddreg [dreg:$0xd];
	[tilespmem:v6+s28+$0x0] =	vst.idx.msk $0xffff, v37  }
0x7c: {  	[hbm4b:s21+s23] =	stream.strided.scatter [tilespmem:s28], [sflag:$0x4], $0x2000, s24, s23, $0x38;
	[tilespmem:$0x9000] =	vst v63  }
0x7d: {  	_ =	swait.ge [sflag:s29], $0x2000  }
0x7e: {  	[sflag:s29] =	ssyncset.done $0x0  }
0x7f: {  	[sflag:s29] =	ssyncadd.s32 $0xFFFFE000  }
0x80: {  	[tilespmem:v0+s2+$0x0] =	vst.idx.msk $0xffff, v1  }
0x81: {  	v0 =	vld [tilespmem:$0x8200];
	_ =	sdelay $0x7  }
0x82: {  	v1 =	vld.idx.msk [tilespmem:v0+s2+$0x0], $0xffff;
	_ =	sdelay $0x4  }
0x83: {  	v38 =	vsub.f32 $1.000000000e+00, v1;
	_ =	sdelay $0x1  }
0x84: {  	s21 =	rddreg [dreg:$0xe];
	[tilespmem:v0+s2+$0x0] =	vst.idx.msk $0xffff, v38  }
0x85: {  	[hbm4b:s21+s23] =	stream.strided.scatter [tilespmem:s2], [sflag:$0x1], $0x2000, s24, s23, $0x38;
	[tilespmem:$0x9000] =	vst v63  }
0x86: {  	_ =	swait.ge [sflag:s30], $0x2000  }
0x87: {  	[sflag:s30] =	ssyncset.done $0x0  }
0x88: {  	[sflag:s30] =	ssyncadd.s32 $0xFFFFE000  }
0x89: {  	[tilespmem:v2+s25+$0x0] =	vst.idx.msk $0xffff, v3  }
0x8a: {  	v2 =	vld [tilespmem:$0x8A00];
	_ =	sdelay $0x7  }
0x8b: {  	v3 =	vld.idx.msk [tilespmem:v2+s25+$0x0], $0xffff;
	_ =	sdelay $0x4  }
0x8c: {  	v39 =	vsub.f32 $1.000000000e+00, v3;
	_ =	sdelay $0x1  }
0x8d: {  	s21 =	rddreg [dreg:$0xf];
	[tilespmem:v2+s25+$0x0] =	vst.idx.msk $0xffff, v39  }
0x8e: {  	[hbm4b:s21+s23] =	stream.strided.scatter [tilespmem:s25], [sflag:$0x2], $0x2000, s24, s23, $0x38;
	[tilespmem:$0x9000] =	vst v63  }
0x8f: {  	_ =	swait.ge [sflag:s31], $0x2000  }
0x90: {  	[sflag:s31] =	ssyncset.done $0x0  }
0x91: {  	[sflag:s31] =	ssyncadd.s32 $0xFFFFE000  }
0x92: {  	[tilespmem:v4+s26+$0x0] =	vst.idx.msk $0xffff, v5  }
0x93: {  	v4 =	vld [tilespmem:$0x8280];
	_ =	sdelay $0x7  }
0x94: {  	v5 =	vld.idx.msk [tilespmem:v4+s26+$0x0], $0xffff;
	_ =	sdelay $0x4  }
0x95: {  	v40 =	vsub.f32 $1.000000000e+00, v5;
	_ =	sdelay $0x1  }
0x96: {  	s21 =	rddreg [dreg:$0x10];
	[tilespmem:v4+s26+$0x0] =	vst.idx.msk $0xffff, v40  }
0x97: {  	[hbm4b:s21+s23] =	stream.strided.scatter [tilespmem:s26], [sflag:$0x3], $0x2000, s24, s23, $0x38;
	[tilespmem:$0x9000] =	vst v63  }
0x98: {  	_ =	swait.ge [sflag:s0], $0x2000  }
0x99: {  	[sflag:s0] =	ssyncset.done $0x0  }
0x9a: {  	[sflag:s0] =	ssyncadd.s32 $0xFFFFE000  }
0x9b: {  	[tilespmem:v6+s28+$0x0] =	vst.idx.msk $0xffff, v7  }
0x9c: {  	v6 =	vld [tilespmem:$0x8A80];
	_ =	sdelay $0x7  }
0x9d: {  	v7 =	vld.idx.msk [tilespmem:v6+s28+$0x0], $0xffff;
	_ =	sdelay $0x4  }
0x9e: {  	v41 =	vsub.f32 $1.000000000e+00, v7;
	_ =	sdelay $0x1  }
0x9f: {  	s21 =	rddreg [dreg:$0x11];
	[tilespmem:v6+s28+$0x0] =	vst.idx.msk $0xffff, v41  }
0xa0: {  	[hbm4b:s21+s23] =	stream.strided.scatter [tilespmem:s28], [sflag:$0x4], $0x2000, s24, s23, $0x38;
	[tilespmem:$0x9000] =	vst v63  }
0xa1: {  	_ =	swait.ge [sflag:s29], $0x2000  }
0xa2: {  	[sflag:s29] =	ssyncset.done $0x0  }
0xa3: {  	[sflag:s29] =	ssyncadd.s32 $0xFFFFE000  }
0xa4: {  	[tilespmem:v0+s2+$0x0] =	vst.idx.msk $0xffff, v1  }
0xa5: {  	v0 =	vld [tilespmem:$0x8300];
	_ =	sdelay $0x7  }
0xa6: {  	v1 =	vld.idx.msk [tilespmem:v0+s2+$0x0], $0xffff;
	_ =	sdelay $0x4  }
0xa7: {  	v42 =	vsub.f32 $1.000000000e+00, v1;
	_ =	sdelay $0x1  }
0xa8: {  	s21 =	rddreg [dreg:$0x12];
	[tilespmem:v0+s2+$0x0] =	vst.idx.msk $0xffff, v42  }
0xa9: {  	[hbm4b:s21+s23] =	stream.strided.scatter [tilespmem:s2], [sflag:$0x1], $0x2000, s24, s23, $0x38;
	[tilespmem:$0x9000] =	vst v63  }
0xaa: {  	_ =	swait.ge [sflag:s30], $0x2000  }
0xab: {  	[sflag:s30] =	ssyncset.done $0x0  }
0xac: {  	[sflag:s30] =	ssyncadd.s32 $0xFFFFE000  }
0xad: {  	[tilespmem:v2+s25+$0x0] =	vst.idx.msk $0xffff, v3  }
0xae: {  	v2 =	vld [tilespmem:$0x8B00];
	_ =	sdelay $0x7  }
0xaf: {  	v3 =	vld.idx.msk [tilespmem:v2+s25+$0x0], $0xffff;
	_ =	sdelay $0x4  }
0xb0: {  	v43 =	vsub.f32 $1.000000000e+00, v3;
	_ =	sdelay $0x1  }
0xb1: {  	s21 =	rddreg [dreg:$0x13];
	[tilespmem:v2+s25+$0x0] =	vst.idx.msk $0xffff, v43  }
0xb2: {  	[hbm4b:s21+s23] =	stream.strided.scatter [tilespmem:s25], [sflag:$0x2], $0x2000, s24, s23, $0x38;
	[tilespmem:$0x9000] =	vst v63  }
0xb3: {  	_ =	swait.ge [sflag:s31], $0x2000  }
0xb4: {  	[sflag:s31] =	ssyncset.done $0x0  }
0xb5: {  	[sflag:s31] =	ssyncadd.s32 $0xFFFFE000  }
0xb6: {  	[tilespmem:v4+s26+$0x0] =	vst.idx.msk $0xffff, v5  }
0xb7: {  	v4 =	vld [tilespmem:$0x8380];
	_ =	sdelay $0x7  }
0xb8: {  	v5 =	vld.idx.msk [tilespmem:v4+s26+$0x0], $0xffff;
	_ =	sdelay $0x4  }
0xb9: {  	v44 =	vsub.f32 $1.000000000e+00, v5;
	_ =	sdelay $0x1  }
0xba: {  	s21 =	rddreg [dreg:$0x14];
	[tilespmem:v4+s26+$0x0] =	vst.idx.msk $0xffff, v44  }
0xbb: {  	[hbm4b:s21+s23] =	stream.strided.scatter [tilespmem:s26], [sflag:$0x3], $0x2000, s24, s23, $0x38;
	[tilespmem:$0x9000] =	vst v63  }
0xbc: {  	_ =	swait.ge [sflag:s0], $0x2000  }
0xbd: {  	[sflag:s0] =	ssyncset.done $0x0  }
0xbe: {  	[sflag:s0] =	ssyncadd.s32 $0xFFFFE000  }
0xbf: {  	[tilespmem:v6+s28+$0x0] =	vst.idx.msk $0xffff, v7  }
0xc0: {  	v6 =	vld [tilespmem:$0x8B80];
	_ =	sdelay $0x7  }
0xc1: {  	v7 =	vld.idx.msk [tilespmem:v6+s28+$0x0], $0xffff;
	_ =	sdelay $0x4  }
0xc2: {  	v45 =	vsub.f32 $1.000000000e+00, v7;
	_ =	sdelay $0x1  }
0xc3: {  	s21 =	rddreg [dreg:$0x15];
	[tilespmem:v6+s28+$0x0] =	vst.idx.msk $0xffff, v45  }
0xc4: {  	[hbm4b:s21+s23] =	stream.strided.scatter [tilespmem:s28], [sflag:$0x4], $0x2000, s24, s23, $0x38;
	[tilespmem:$0x9000] =	vst v63  }
0xc5: {  	_ =	swait.ge [sflag:s29], $0x2000  }
0xc6: {  	[sflag:s29] =	ssyncset.done $0x0  }
0xc7: {  	[sflag:s29] =	ssyncadd.s32 $0xFFFFE000  }
0xc8: {  	[tilespmem:v0+s2+$0x0] =	vst.idx.msk $0xffff, v1  }
0xc9: {  	v0 =	vld [tilespmem:$0x8400];
	_ =	sdelay $0x7  }
0xca: {  	v1 =	vld.idx.msk [tilespmem:v0+s2+$0x0], $0xffff;
	_ =	sdelay $0x4  }
0xcb: {  	v46 =	vsub.f32 $1.000000000e+00, v1;
	_ =	sdelay $0x1  }
0xcc: {  	s21 =	rddreg [dreg:$0x16];
	[tilespmem:v0+s2+$0x0] =	vst.idx.msk $0xffff, v46  }
0xcd: {  	[hbm4b:s21+s23] =	stream.strided.scatter [tilespmem:s2], [sflag:$0x1], $0x2000, s24, s23, $0x38;
	[tilespmem:$0x9000] =	vst v63  }
0xce: {  	_ =	swait.ge [sflag:s30], $0x2000  }
0xcf: {  	[sflag:s30] =	ssyncset.done $0x0  }
0xd0: {  	[sflag:s30] =	ssyncadd.s32 $0xFFFFE000  }
0xd1: {  	[tilespmem:v2+s25+$0x0] =	vst.idx.msk $0xffff, v3  }
0xd2: {  	v2 =	vld [tilespmem:$0x8C00];
	_ =	sdelay $0x7  }
0xd3: {  	v3 =	vld.idx.msk [tilespmem:v2+s25+$0x0], $0xffff;
	_ =	sdelay $0x4  }
0xd4: {  	v47 =	vsub.f32 $1.000000000e+00, v3;
	_ =	sdelay $0x1  }
0xd5: {  	[tilespmem:v2+s25+$0x0] =	vst.idx.msk $0xffff, v47  }
0xd6: {  	[hbm4b:s5+s23] =	stream.strided.scatter [tilespmem:s25], [sflag:$0x2], $0x2000, s24, s23, $0x38;
	[tilespmem:$0x9000] =	vst v63  }
0xd7: {  	_ =	swait.ge [sflag:s31], $0x2000  }
0xd8: {  	[sflag:s31] =	ssyncset.done $0x0  }
0xd9: {  	[sflag:s31] =	ssyncadd.s32 $0xFFFFE000  }
0xda: {  	[tilespmem:v4+s26+$0x0] =	vst.idx.msk $0xffff, v5  }
0xdb: {  	v4 =	vld [tilespmem:$0x8480];
	_ =	sdelay $0x7  }
0xdc: {  	v5 =	vld.idx.msk [tilespmem:v4+s26+$0x0], $0xffff;
	_ =	sdelay $0x4  }
0xdd: {  	v48 =	vsub.f32 $1.000000000e+00, v5;
	_ =	sdelay $0x1  }
0xde: {  	[tilespmem:v4+s26+$0x0] =	vst.idx.msk $0xffff, v48  }
0xdf: {  	[hbm4b:s6+s23] =	stream.strided.scatter [tilespmem:s26], [sflag:$0x3], $0x2000, s24, s23, $0x38;
	[tilespmem:$0x9000] =	vst v63  }
0xe0: {  	_ =	swait.ge [sflag:s0], $0x2000  }
0xe1: {  	[sflag:s0] =	ssyncset.done $0x0  }
0xe2: {  	[sflag:s0] =	ssyncadd.s32 $0xFFFFE000  }
0xe3: {  	[tilespmem:v6+s28+$0x0] =	vst.idx.msk $0xffff, v7  }
0xe4: {  	v6 =	vld [tilespmem:$0x8C80];
	_ =	sdelay $0x7  }
0xe5: {  	v7 =	vld.idx.msk [tilespmem:v6+s28+$0x0], $0xffff;
	_ =	sdelay $0x4  }
0xe6: {  	v49 =	vsub.f32 $1.000000000e+00, v7;
	_ =	sdelay $0x1  }
0xe7: {  	[tilespmem:v6+s28+$0x0] =	vst.idx.msk $0xffff, v49  }
0xe8: {  	[hbm4b:s7+s23] =	stream.strided.scatter [tilespmem:s28], [sflag:$0x4], $0x2000, s24, s23, $0x38;
	[tilespmem:$0x9000] =	vst v63  }
0xe9: {  	_ =	swait.ge [sflag:s29], $0x2000  }
0xea: {  	[sflag:s29] =	ssyncset.done $0x0  }
0xeb: {  	[sflag:s29] =	ssyncadd.s32 $0xFFFFE000  }
0xec: {  	[tilespmem:v0+s2+$0x0] =	vst.idx.msk $0xffff, v1  }
0xed: {  	v0 =	vld [tilespmem:$0x8500];
	_ =	sdelay $0x7  }
0xee: {  	v1 =	vld.idx.msk [tilespmem:v0+s2+$0x0], $0xffff;
	_ =	sdelay $0x4  }
0xef: {  	v50 =	vsub.f32 $1.000000000e+00, v1;
	_ =	sdelay $0x1  }
0xf0: {  	[tilespmem:v0+s2+$0x0] =	vst.idx.msk $0xffff, v50  }
0xf1: {  	[hbm4b:s8+s23] =	stream.strided.scatter [tilespmem:s2], [sflag:$0x1], $0x2000, s24, s23, $0x38;
	[tilespmem:$0x9000] =	vst v63  }
0xf2: {  	_ =	swait.ge [sflag:s30], $0x2000  }
0xf3: {  	[sflag:s30] =	ssyncset.done $0x0  }
0xf4: {  	[sflag:s30] =	ssyncadd.s32 $0xFFFFE000  }
0xf5: {  	[tilespmem:v2+s25+$0x0] =	vst.idx.msk $0xffff, v3  }
0xf6: {  	v2 =	vld [tilespmem:$0x8D00];
	_ =	sdelay $0x7  }
0xf7: {  	v3 =	vld.idx.msk [tilespmem:v2+s25+$0x0], $0xffff;
	_ =	sdelay $0x4  }
0xf8: {  	v51 =	vsub.f32 $1.000000000e+00, v3;
	_ =	sdelay $0x1  }
0xf9: {  	[tilespmem:v2+s25+$0x0] =	vst.idx.msk $0xffff, v51  }
0xfa: {  	[hbm4b:s9+s23] =	stream.strided.scatter [tilespmem:s25], [sflag:$0x2], $0x2000, s24, s23, $0x38;
	[tilespmem:$0x9000] =	vst v63  }
0xfb: {  	_ =	swait.ge [sflag:s31], $0x2000  }
0xfc: {  	[sflag:s31] =	ssyncset.done $0x0  }
0xfd: {  	[sflag:s31] =	ssyncadd.s32 $0xFFFFE000  }
0xfe: {  	[tilespmem:v4+s26+$0x0] =	vst.idx.msk $0xffff, v5  }
0xff: {  	v4 =	vld [tilespmem:$0x8580];
	_ =	sdelay $0x7  }
0x100: {  	v5 =	vld.idx.msk [tilespmem:v4+s26+$0x0], $0xffff;
	_ =	sdelay $0x4  }
0x101: {  	v52 =	vsub.f32 $1.000000000e+00, v5;
	_ =	sdelay $0x1  }
0x102: {  	[tilespmem:v4+s26+$0x0] =	vst.idx.msk $0xffff, v52  }
0x103: {  	[hbm4b:s10+s23] =	stream.strided.scatter [tilespmem:s26], [sflag:$0x3], $0x2000, s24, s23, $0x38;
	[tilespmem:$0x9000] =	vst v63  }
0x104: {  	_ =	swait.ge [sflag:s0], $0x2000  }
0x105: {  	[sflag:s0] =	ssyncset.done $0x0  }
0x106: {  	[sflag:s0] =	ssyncadd.s32 $0xFFFFE000  }
0x107: {  	[tilespmem:v6+s28+$0x0] =	vst.idx.msk $0xffff, v7  }
0x108: {  	v6 =	vld [tilespmem:$0x8D80];
	_ =	sdelay $0x7  }
0x109: {  	v7 =	vld.idx.msk [tilespmem:v6+s28+$0x0], $0xffff;
	_ =	sdelay $0x4  }
0x10a: {  	v53 =	vsub.f32 $1.000000000e+00, v7;
	_ =	sdelay $0x1  }
0x10b: {  	[tilespmem:v6+s28+$0x0] =	vst.idx.msk $0xffff, v53  }
0x10c: {  	[hbm4b:s11+s23] =	stream.strided.scatter [tilespmem:s28], [sflag:$0x4], $0x2000, s24, s23, $0x38;
	[tilespmem:$0x9000] =	vst v63  }
0x10d: {  	_ =	swait.ge [sflag:s29], $0x2000  }
0x10e: {  	[sflag:s29] =	ssyncset.done $0x0  }
0x10f: {  	[sflag:s29] =	ssyncadd.s32 $0xFFFFE000  }
0x110: {  	[tilespmem:v0+s2+$0x0] =	vst.idx.msk $0xffff, v1  }
0x111: {  	v0 =	vld [tilespmem:$0x8600];
	_ =	sdelay $0x7  }
0x112: {  	v1 =	vld.idx.msk [tilespmem:v0+s2+$0x0], $0xffff;
	_ =	sdelay $0x4  }
0x113: {  	v54 =	vsub.f32 $1.000000000e+00, v1;
	_ =	sdelay $0x1  }
0x114: {  	[tilespmem:v0+s2+$0x0] =	vst.idx.msk $0xffff, v54  }
0x115: {  	[hbm4b:s12+s23] =	stream.strided.scatter [tilespmem:s2], [sflag:$0x1], $0x2000, s24, s23, $0x38;
	[tilespmem:$0x9000] =	vst v63  }
0x116: {  	_ =	swait.ge [sflag:s30], $0x2000  }
0x117: {  	[sflag:s30] =	ssyncset.done $0x0  }
0x118: {  	[sflag:s30] =	ssyncadd.s32 $0xFFFFE000  }
0x119: {  	[tilespmem:v2+s25+$0x0] =	vst.idx.msk $0xffff, v3  }
0x11a: {  	v2 =	vld [tilespmem:$0x8E00];
	_ =	sdelay $0x7  }
0x11b: {  	v3 =	vld.idx.msk [tilespmem:v2+s25+$0x0], $0xffff;
	_ =	sdelay $0x4  }
0x11c: {  	v55 =	vsub.f32 $1.000000000e+00, v3;
	_ =	sdelay $0x1  }
0x11d: {  	[tilespmem:v2+s25+$0x0] =	vst.idx.msk $0xffff, v55  }
0x11e: {  	[hbm4b:s13+s23] =	stream.strided.scatter [tilespmem:s25], [sflag:$0x2], $0x2000, s24, s23, $0x38;
	[tilespmem:$0x9000] =	vst v63  }
0x11f: {  	_ =	swait.ge [sflag:s31], $0x2000  }
0x120: {  	[sflag:s31] =	ssyncset.done $0x0  }
0x121: {  	[sflag:s31] =	ssyncadd.s32 $0xFFFFE000  }
0x122: {  	[tilespmem:v4+s26+$0x0] =	vst.idx.msk $0xffff, v5  }
0x123: {  	v4 =	vld [tilespmem:$0x8680];
	_ =	sdelay $0x7  }
0x124: {  	v5 =	vld.idx.msk [tilespmem:v4+s26+$0x0], $0xffff;
	_ =	sdelay $0x4  }
0x125: {  	v56 =	vsub.f32 $1.000000000e+00, v5;
	_ =	sdelay $0x1  }
0x126: {  	[tilespmem:v4+s26+$0x0] =	vst.idx.msk $0xffff, v56  }
0x127: {  	[hbm4b:s14+s23] =	stream.strided.scatter [tilespmem:s26], [sflag:$0x3], $0x2000, s24, s23, $0x38;
	[tilespmem:$0x9000] =	vst v63  }
0x128: {  	_ =	swait.ge [sflag:s0], $0x2000  }
0x129: {  	[sflag:s0] =	ssyncset.done $0x0  }
0x12a: {  	[sflag:s0] =	ssyncadd.s32 $0xFFFFE000  }
0x12b: {  	[tilespmem:v6+s28+$0x0] =	vst.idx.msk $0xffff, v7  }
0x12c: {  	v6 =	vld [tilespmem:$0x8E80];
	_ =	sdelay $0x7  }
0x12d: {  	v7 =	vld.idx.msk [tilespmem:v6+s28+$0x0], $0xffff;
	_ =	sdelay $0x4  }
0x12e: {  	v57 =	vsub.f32 $1.000000000e+00, v7;
	_ =	sdelay $0x1  }
0x12f: {  	[tilespmem:v6+s28+$0x0] =	vst.idx.msk $0xffff, v57  }
0x130: {  	[hbm4b:s15+s23] =	stream.strided.scatter [tilespmem:s28], [sflag:$0x4], $0x2000, s24, s23, $0x38;
	[tilespmem:$0x9000] =	vst v63  }
0x131: {  	_ =	swait.ge [sflag:s29], $0x2000  }
0x132: {  	[sflag:s29] =	ssyncset.done $0x0  }
0x133: {  	[sflag:s29] =	ssyncadd.s32 $0xFFFFE000  }
0x134: {  	[tilespmem:v0+s2+$0x0] =	vst.idx.msk $0xffff, v1  }
0x135: {  	v0 =	vld [tilespmem:$0x8700];
	_ =	sdelay $0x7  }
0x136: {  	v1 =	vld.idx.msk [tilespmem:v0+s2+$0x0], $0xffff;
	_ =	sdelay $0x4  }
0x137: {  	v1 =	vsub.f32 $1.000000000e+00, v1;
	_ =	sdelay $0x1  }
0x138: {  	[tilespmem:v0+s2+$0x0] =	vst.idx.msk $0xffff, v1  }
0x139: {  	[hbm4b:s16+s23] =	stream.strided.scatter [tilespmem:s2], [sflag:$0x1], $0x2000, s24, s23, $0x38;
	[tilespmem:$0x9000] =	vst v63  }
0x13a: {  	_ =	swait.ge [sflag:s30], $0x2000  }
0x13b: {  	[sflag:s30] =	ssyncset.done $0x0  }
0x13c: {  	[sflag:s30] =	ssyncadd.s32 $0xFFFFE000  }
0x13d: {  	[tilespmem:v2+s25+$0x0] =	vst.idx.msk $0xffff, v3  }
0x13e: {  	v58 =	vld [tilespmem:$0x8F00];
	_ =	sdelay $0x7  }
0x13f: {  	v59 =	vld.idx.msk [tilespmem:v58+s25+$0x0], $0xffff;
	_ =	sdelay $0x4  }
0x140: {  	v1 =	vsub.f32 $1.000000000e+00, v59;
	_ =	sdelay $0x1  }
0x141: {  	[tilespmem:v58+s25+$0x0] =	vst.idx.msk $0xffff, v1  }
0x142: {  	[hbm4b:s17+s23] =	stream.strided.scatter [tilespmem:s25], [sflag:$0x2], $0x2000, s24, s23, $0x38;
	[tilespmem:$0x9000] =	vst v63  }
0x143: {  	_ =	swait.ge [sflag:s31], $0x2000  }
0x144: {  	[sflag:s31] =	ssyncset.done $0x0  }
0x145: {  	[sflag:s31] =	ssyncadd.s32 $0xFFFFE000  }
0x146: {  	[tilespmem:v4+s26+$0x0] =	vst.idx.msk $0xffff, v5  }
0x147: {  	v60 =	vld [tilespmem:$0x8780];
	_ =	sdelay $0x7  }
0x148: {  	v61 =	vld.idx.msk [tilespmem:v60+s26+$0x0], $0xffff;
	_ =	sdelay $0x4  }
0x149: {  	v1 =	vsub.f32 $1.000000000e+00, v61;
	_ =	sdelay $0x1  }
0x14a: {  	[tilespmem:v60+s26+$0x0] =	vst.idx.msk $0xffff, v1  }
0x14b: {  	[hbm4b:s18+s23] =	stream.strided.scatter [tilespmem:s26], [sflag:$0x3], $0x2000, s24, s23, $0x38;
	[tilespmem:$0x9000] =	vst v63  }
0x14c: {  	_ =	swait.ge [sflag:s0], $0x2000  }
0x14d: {  	[sflag:s0] =	ssyncset.done $0x0  }
0x14e: {  	[sflag:s0] =	ssyncadd.s32 $0xFFFFE000  }
0x14f: {  	[tilespmem:v6+s28+$0x0] =	vst.idx.msk $0xffff, v7  }
0x150: {  	v62 =	vld [tilespmem:$0x8F80];
	_ =	sdelay $0x7  }
0x151: {  	v63 =	vld.idx.msk [tilespmem:v62+s28+$0x0], $0xffff;
	_ =	sdelay $0x4  }
0x152: {  	v1 =	vsub.f32 $1.000000000e+00, v63;
	_ =	sdelay $0x1  }
0x153: {  	[tilespmem:v62+s28+$0x0] =	vst.idx.msk $0xffff, v1  }
0x154: {  	[hbm4b:s19+s23] =	stream.strided.scatter [tilespmem:s28], [sflag:$0x4], $0x2000, s24, s23, $0x38;
	[tilespmem:$0x9000] =	vst v63  }
0x155: {  	_ =	swait.ge [sflag:s29], $0x2000  }
0x156: {  	[sflag:s29] =	ssyncset.done $0x0  }
0x157: {  	[sflag:s29] =	ssyncadd.s32 $0xFFFFE000  }
0x158: {  	_ =	swait.ge [sflag:s30], $0x2000  }
0x159: {  	[sflag:s30] =	ssyncset.done $0x0  }
0x15a: {  	[sflag:s30] =	ssyncadd.s32 $0xFFFFE000  }
0x15b: {  	p0 =	sne.s32 s20, $0x1;
	_ =	swait.ge [sflag:s31], $0x2000  }
.Ltmp0:
0x15c: {  	[sflag:s31] =	ssyncset.done $0x0;
	(pc) =	sbr.rel @p0 .LBB2_1-.Ltmp0, $4  }
0x15d: {  	[sflag:s31] =	ssyncadd.s32 $0xFFFFE000  }
0x15e: {  	_ =	swait.ge [sflag:s0], $0x2000  }
0x15f: {  	[sflag:s0] =	ssyncset.done $0x0  }
0x160: {  	s20 =	sadd.s32 $0xFFFFFFFF, s20;
	[sflag:s0] =	ssyncadd.s32 $0xFFFFE000  }
0x161: {  	_ =	sfence.sel $0x180000  }
0x162: {  	[bflag:$0x0] =	sbarrier.arrive $0xFFFF  }
0x163: {  	_ =	strace $0x90000047  }
0x164: {  	s0 =	stileid.u32;
	[bflag:$0x2] =	sbarrier.arrive $0xFFFF  }
0x165: {  	p0 =	sne.s32 s0, $0x0;
	s0 =	rddreg [dreg:$0x3]  }
0x166: {  	s0 =	sadd.s32 @!p0 $0x100000, s0  }
0x167: {  	[sflag:s0] =	ssyncadd.tile.s32 @!p0 $0x1;
	_ =	shalt  }
.Lfunc_end2:
_tile_overlayer_lowered:
.L_overlay_start_2:
0x168: {  	(tag) =	ssettag $0x2  }
0x169: {  	s0 =	rddreg [dreg:$0x0];
	s2 =	stileid.u32  }
0x16a: {  	s1 =	rddreg [dreg:$0x1];
	p0 =	sne.s32 s2, $0x0  }
0x16b: {  	s3 =	rddreg [dreg:$0x2];
	[bflag:$0x3] =	sbarrier.arrive $0xFFFF;
	s2 =	simm.s32 @!p0 $0x1C05  }
0x16c: {  	[timem:s3], [sflag:s2] =	dma.local @!p0 [hbm:s0], s1  }
0x16d: {  	s0 =	simm.s32 @!p0 $0x5  }
0x16e: {  	_ =	swait.ge @!p0 [sflag:s0], s1  }
0x16f: {  	s1 =	ssub.s32 @!p0 $0x0, s1;
	[sflag:s0] =	ssyncset.done @!p0 $0x0  }
0x170: {  	[sflag:s0] =	ssyncadd.s32 @!p0 s1  }
0x171: {  	[bflag:$0x3] =	sbarrier.arrive $0xFFFF  }
0x172: {  	_ =	shalt  }

</sc_bundles>
